<compile_context>
chip_gen: v7x
topology: tpu7x:2x2x1
jax: 0.10.2.dev20260603
libtpu: 0.0.44.dev20260713+nightly
codegen_flags: <defaults>
</compile_context>

<pallas_src>
import functools

import jax
import jax.numpy as jnp
from jax import lax
from jax.experimental import pallas as pl
from jax.experimental.pallas import tpu as pltpu
from jax.experimental.pallas import tpu_sc as plsc

L = 16
D = 8
NC = 2
NS = 16
NW = NC * NS
LANE = 128


def _build_call(n):
    npad = -(-n // LANE) * LANE
    ntiles = npad // LANE
    tbase_w = ntiles // NW
    textra = ntiles - tbase_w * NW
    cols_hi = (tbase_w + 1) * LANE
    cols_lo = tbase_w * LANE
    shift_max = npad - n + LANE
    cols_buf = cols_hi + shift_max

    win = 2 * cols_hi
    win_buf = win + (npad - n)
    assert tbase_w % 2 == 0 and LANE // L == 8 and win // L % 2 == 0

    mesh = plsc.VectorSubcoreMesh(core_axis_name="c", subcore_axis_name="s")

    @functools.partial(
        pl.kernel,
        out_type=jax.ShapeDtypeStruct((D, n), jnp.float32),
        mesh=mesh,
        scratch_types=[
            pltpu.VMEM((win_buf,), jnp.int32),
            pltpu.VMEM((cols_buf,), jnp.float32),
            pltpu.VMEM((D, cols_hi), jnp.float32),
            pltpu.VMEM((L,), jnp.int32),
            pltpu.VMEM((NS * L,), jnp.int32),
            pltpu.VMEM_SHARED((NS * L,), jnp.int32),
            pltpu.SemaphoreType.DMA,
            pltpu.SemaphoreType.DMA,
            pltpu.SemaphoreType.DMA,
        ],
        compiler_params=pltpu.CompilerParams(needs_layout_passes=False),
    )
    def call(ls_hbm, sv_hbm, out_hbm,
             vals2_v, src_v, out2_v,
             minvec_v, allmins_v, mins_sh, sem_v, sem_s, sem_o):
        c = lax.axis_index("c")
        s = lax.axis_index("s")
        w = s * NC + c

        tb = tbase_w * w + jnp.minimum(w, textra)
        cb = tb * LANE
        base_s = jnp.minimum((tbase_w * (2 * s)
                              + jnp.minimum(2 * s, textra)) * LANE, n - win)
        shift2 = cb - base_s
        base2 = jnp.minimum(cb, n - cols_hi)
        shift = cb - base2
        hi = w < textra
        ngc4 = (tbase_w + jnp.where(hi, 1, 0)) * (LANE // L // 4)

        h_v = pltpu.async_copy(ls_hbm.at[pl.ds(base_s, win)],
                               vals2_v.at[pl.ds(0, win)], sem_v)
        h_s = pltpu.async_copy(sv_hbm.at[pl.ds(base2, cols_hi)],
                               src_v.at[pl.ds(0, cols_hi)], sem_s)

        h_v.wait()

        def mstep(i, m):
            for u in range(4):
                m = jnp.minimum(m, vals2_v[pl.ds(i * (4 * L) + u * L, L)])
            return m
        m = lax.fori_loop(0, win // L // 4, mstep,
                          jnp.full((L,), jnp.iinfo(jnp.int32).max,
                                   jnp.int32))
        minvec_v[...] = m
        pltpu.sync_copy(minvec_v, mins_sh.at[pl.ds(s * L, L)])
        plsc.subcore_barrier()
        pltpu.sync_copy(mins_sh, allmins_v)

        def mstep2(i, m):
            return jnp.minimum(m, allmins_v[pl.ds(i * L, L)])
        mall = lax.fori_loop(0, NS, mstep2,
                             jnp.full((L,), jnp.iinfo(jnp.int32).max,
                                      jnp.int32))
        gmin = mall[0]
        for j in range(1, L):
            gmin = jnp.minimum(gmin, mall[j])

        h_s.wait()
        fzero = jnp.zeros((L,), jnp.float32)
        lane = lax.iota(jnp.int32, L)

        def group(g):
            v = vals2_v[pl.ds(shift2 + g * L, L)] - gmin
            v = jnp.minimum(v, D - 1)
            v = jnp.maximum(v, 0)
            sv = src_v[pl.ds(shift + g * L, L)]
            for d in range(D):
                out2_v[d, pl.ds(g * L, L)] = fzero
            plsc.store_scatter(out2_v, [v, g * L + lane], sv)

        def wstep(i, carry):
            for u in range(4):
                group(4 * i + u)
            return carry

        ghalf = cols_lo // L // 2
        lax.fori_loop(0, ghalf // 4, wstep, 0)
        h_o = pltpu.async_copy(out2_v.at[:, pl.ds(0, cols_lo // 2)],
                               out_hbm.at[:, pl.ds(cb, cols_lo // 2)],
                               sem_o)
        lax.fori_loop(ghalf // 4, ngc4, wstep, 0)

        last = w >= NW - 1
        half = cols_lo // 2
        cols_last = n - (ntiles - tbase_w) * LANE

        @pl.when(hi)
        def _():
            pltpu.sync_copy(
                out2_v.at[:, pl.ds(half, cols_hi - half)],
                out_hbm.at[:, pl.ds(cb + half, cols_hi - half)])

        @pl.when(jnp.logical_and(jnp.logical_not(hi),
                                 jnp.logical_not(last)))
        def _():
            pltpu.sync_copy(
                out2_v.at[:, pl.ds(half, cols_lo - half)],
                out_hbm.at[:, pl.ds(cb + half, cols_lo - half)])

        cols_full = cols_last // LANE * LANE
        cols_edge = cols_last - cols_full

        @pl.when(last)
        def _():
            pltpu.sync_copy(
                out2_v.at[:, pl.ds(half, cols_full - half)],
                out_hbm.at[:, pl.ds(cb + half, cols_full - half)])
            pltpu.sync_copy(
                out2_v.at[:, pl.ds(cols_full, cols_edge)],
                out_hbm.at[:, pl.ds(cb + cols_full, cols_edge)])

        h_o.wait()

    return call


def kernel(list_scalars, src_vals, one_hot_dim):
    del one_hot_dim
    n = list_scalars.shape[0]
    out_t = _build_call(n)(list_scalars, src_vals)
    return out_t.T

# --- scband reference (transcript-rebuilt; emitter-appended) ---
"""Pipeline reference for scband-feature-augment-23235773071628 (READ-ONLY COPY).

The authoritative reference and input builder live on the scoring server;
editing this copy changes nothing except your own understanding.
"""

import jax, jax.numpy as jnp
import numpy as np

N = 100000
ONE_HOT_DIM = 8


def setup_inputs(seed: int = 0) -> dict:
    key = jax.random.key(seed)
    k1, _ = jax.random.split(key)
    list_scalars = jax.random.randint(k1, (N,), 0, 64, dtype=jnp.int32)
    src_vals = jnp.ones((N,), dtype=jnp.float32)
    return {"list_scalars": list_scalars, "src_vals": src_vals, "one_hot_dim": ONE_HOT_DIM}


def reference(list_scalars, src_vals, one_hot_dim):
    # Faithful translation of FeatureAugment._one_hot_tensor:
    #   vals = vals - min(vals); clamp to [0, one_hot_dim-1]; scatter 1.0 into zeros(N, dim)
    vals = list_scalars - jnp.min(list_scalars)
    vals = jnp.minimum(vals, one_hot_dim - 1)
    vals = jnp.maximum(vals, 0)
    n = list_scalars.shape[0]
    one_hot = jnp.zeros((n, ONE_HOT_DIM), dtype=jnp.float32)
    # scatter-overwrite: one_hot.scatter_(1, vals, 1.0); src_vals carries the written value (all ones)
    one_hot = one_hot.at[jnp.arange(n), vals].set(src_vals)
    return one_hot

if __name__ == "__main__":
    import jax
    _d = setup_inputs()
    print(jax.jit(kernel)(*tuple(_d.values())))

</pallas_src>

<mosaic_0001>
#map = affine_map<(d0, d1) -> (0)>
#map1 = affine_map<(d0, d1) -> (0, 0)>
module attributes {stable_mosaic.version = 14 : i64} {
  func.func @call(%arg0: i32, %arg1: i32, %arg2: memref<100000xi32, #tpu.memory_space<hbm>>, %arg3: memref<100000xf32, #tpu.memory_space<hbm>>, %arg4: memref<8x100000xf32, #tpu.memory_space<hbm>>, %arg5: memref<6496xi32, #tpu.memory_space<vmem>>, %arg6: memref<3424xf32, #tpu.memory_space<vmem>>, %arg7: memref<8x3200xf32, #tpu.memory_space<vmem>>, %arg8: memref<16xi32, #tpu.memory_space<vmem>>, %arg9: memref<256xi32, #tpu.memory_space<vmem>>, %arg10: memref<256xi32, #tpu.memory_space<vmem_shared>>, %arg11: memref<!tpu.dma_semaphore, #tpu.memory_space<semaphore_mem>>, %arg12: memref<!tpu.dma_semaphore, #tpu.memory_space<semaphore_mem>>, %arg13: memref<!tpu.dma_semaphore, #tpu.memory_space<semaphore_mem>>) attributes {dimension_semantics = [#tpu.dimension_semantics<core_parallel>, #tpu.dimension_semantics<subcore_parallel>], iteration_bounds = array<i64: 2, 16>, scalar_prefetch = 0 : i64, scratch_operands = 9 : i64, tpu.core_type = #tpu.core_type<sc_vector_subcore>, window_params = [{transform_indices = #map}, {transform_indices = #map}, {transform_indices = #map1}]} {
    %mul3A = arith.constant 2 : i32
    %mul3A_0 = arith.muli %arg1, %mul3A : i32
    %add3A = arith.addi %mul3A_0, %arg0 : i32
    %mul3A_1 = arith.constant 24 : i32
    %mul3A_2 = arith.muli %mul3A_1, %add3A : i32
    %min3A = arith.constant 14 : i32
    %min3A_3 = arith.minsi %add3A, %min3A : i32
    %add3A_4 = arith.addi %mul3A_2, %min3A_3 : i32
    %mul3A_5 = arith.constant 128 : i32
    %mul3A_6 = arith.muli %add3A_4, %mul3A_5 : i32
    %mul3A_7 = arith.constant 2 : i32
    %mul3A_8 = arith.muli %mul3A_7, %arg1 : i32
    %mul3A_9 = arith.constant 24 : i32
    %mul3A_10 = arith.muli %mul3A_9, %mul3A_8 : i32
    %mul3A_11 = arith.constant 2 : i32
    %mul3A_12 = arith.muli %mul3A_11, %arg1 : i32
    %min3A_13 = arith.constant 14 : i32
    %min3A_14 = arith.minsi %mul3A_12, %min3A_13 : i32
    %add3A_15 = arith.addi %mul3A_10, %min3A_14 : i32
    %mul3A_16 = arith.constant 128 : i32
    %mul3A_17 = arith.muli %add3A_15, %mul3A_16 : i32
    %min3A_18 = arith.constant 93600 : i32
    %min3A_19 = arith.minsi %mul3A_17, %min3A_18 : i32
    %sub3A = arith.subi %mul3A_6, %min3A_19 : i32
    %min3A_20 = arith.constant 96800 : i32
    %min3A_21 = arith.minsi %mul3A_6, %min3A_20 : i32
    %sub3A_22 = arith.subi %mul3A_6, %min3A_21 : i32
    %lt3A = arith.constant 14 : i32
    %lt3A_23 = arith.cmpi slt, %add3A, %lt3A : i32
    %jit3A = arith.constant 1 : i32
    %jit3A_24 = arith.constant 0 : i32
    %select_n3A = arith.select %lt3A_23, %jit3A, %jit3A_24 : i32
    %add3A_25 = arith.constant 24 : i32
    %add3A_26 = arith.addi %add3A_25, %select_n3A : i32
    %mul3A_27 = arith.constant 2 : i32
    %mul3A_28 = arith.muli %add3A_26, %mul3A_27 : i32
    %dma_start3A = arith.constant 0 : i32
    %dma_start3A_29 = tpu.memref_slice %arg5[%dma_start3A] : memref<6496xi32, #tpu.memory_space<vmem>> -> memref<6400xi32, #tpu.memory_space<vmem>>
    %dma_start3A_30 = tpu.memref_slice %arg2[%min3A_19] : memref<100000xi32, #tpu.memory_space<hbm>> -> memref<6400xi32, #tpu.memory_space<hbm>>
    %dma_start3A_31 = arith.constant 0 : i32
    %dma_start3A_32 = tpu.memref_slice %arg5[%dma_start3A_31] : memref<6496xi32, #tpu.memory_space<vmem>> -> memref<6400xi32, #tpu.memory_space<vmem>>
    %dma_start3A_33 = tpu.memref_slice %arg2[%min3A_19] : memref<100000xi32, #tpu.memory_space<hbm>> -> memref<6400xi32, #tpu.memory_space<hbm>>
    tpu.enqueue_dma source(%dma_start3A_33 : memref<6400xi32, #tpu.memory_space<hbm>>) target(%dma_start3A_32 : memref<6400xi32, #tpu.memory_space<vmem>>) target_semaphore(%arg11 : memref<!tpu.dma_semaphore, #tpu.memory_space<semaphore_mem>>)
    %dma_start3A_34 = arith.constant 0 : i32
    %dma_start3A_35 = tpu.memref_slice %arg6[%dma_start3A_34] : memref<3424xf32, #tpu.memory_space<vmem>> -> memref<3200xf32, #tpu.memory_space<vmem>>
    %dma_start3A_36 = tpu.memref_slice %arg3[%min3A_21] : memref<100000xf32, #tpu.memory_space<hbm>> -> memref<3200xf32, #tpu.memory_space<hbm>>
    %dma_start3A_37 = arith.constant 0 : i32
    %dma_start3A_38 = tpu.memref_slice %arg6[%dma_start3A_37] : memref<3424xf32, #tpu.memory_space<vmem>> -> memref<3200xf32, #tpu.memory_space<vmem>>
    %dma_start3A_39 = tpu.memref_slice %arg3[%min3A_21] : memref<100000xf32, #tpu.memory_space<hbm>> -> memref<3200xf32, #tpu.memory_space<hbm>>
    tpu.enqueue_dma source(%dma_start3A_39 : memref<3200xf32, #tpu.memory_space<hbm>>) target(%dma_start3A_38 : memref<3200xf32, #tpu.memory_space<vmem>>) target_semaphore(%arg12 : memref<!tpu.dma_semaphore, #tpu.memory_space<semaphore_mem>>)
    %dma_wait3A = arith.constant 0 : i32
    %dma_wait3A_40 = tpu.memref_slice %arg5[%dma_wait3A] : memref<6496xi32, #tpu.memory_space<vmem>> -> memref<6400xi32, #tpu.memory_space<vmem>>
    %dma_wait3A_41 = tpu.memref_slice %arg2[%min3A_19] : memref<100000xi32, #tpu.memory_space<hbm>> -> memref<6400xi32, #tpu.memory_space<hbm>>
    %dma_wait3A_42 = arith.constant 0 : i32
    %dma_wait3A_43 = tpu.memref_slice %arg5[%dma_wait3A_42] : memref<6496xi32, #tpu.memory_space<vmem>> -> memref<6400xi32, #tpu.memory_space<vmem>>
    %dma_wait3A_44 = tpu.memref_slice %arg2[%min3A_19] : memref<100000xi32, #tpu.memory_space<hbm>> -> memref<6400xi32, #tpu.memory_space<hbm>>
    tpu.wait_dma2 semaphore(%arg11 : memref<!tpu.dma_semaphore, #tpu.memory_space<semaphore_mem>>) src(%dma_wait3A_44 : memref<6400xi32, #tpu.memory_space<hbm>>) dst(%dma_wait3A_43 : memref<6400xi32, #tpu.memory_space<vmem>>)
    %broadcast_in_dim3A = arith.constant 2147483647 : i32
    %broadcast_in_dim3A_45 = vector.broadcast %broadcast_in_dim3A : i32 to vector<16xi32>
    %scan3A = arith.constant 0 : i32
    %scan3A_46 = arith.constant 100 : i32
    %scan3A_47 = arith.addi %scan3A, %scan3A_46 : i32
    %scan3A_48 = arith.constant 1 : i32
    %scan3A_49 = scf.for %scan3A_161 = %scan3A to %scan3A_47 step %scan3A_48 iter_args(%scan3A_162 = %broadcast_in_dim3A_45) -> (vector<16xi32>)  : i32 {
      %mul3A_163 = arith.constant 64 : i32
      %mul3A_164 = arith.muli %scan3A_161, %mul3A_163 : i32
      %add3A_165 = arith.constant 0 : i32
      %add3A_166 = arith.addi %mul3A_164, %add3A_165 : i32
      %get3A = arith.index_cast %add3A_166 : i32 to index
      %get3A_167 = tpu.vector_load %arg5[%get3A] {strides = array<i32>} : memref<6496xi32, #tpu.memory_space<vmem>>, vector<16xi32>,
      %min3A_168 = arith.minsi %scan3A_162, %get3A_167 : vector<16xi32>
      %mul3A_169 = arith.constant 64 : i32
      %mul3A_170 = arith.muli %scan3A_161, %mul3A_169 : i32
      %add3A_171 = arith.constant 16 : i32
      %add3A_172 = arith.addi %mul3A_170, %add3A_171 : i32
      %get3A_173 = arith.index_cast %add3A_172 : i32 to index
      %get3A_174 = tpu.vector_load %arg5[%get3A_173] {strides = array<i32>} : memref<6496xi32, #tpu.memory_space<vmem>>, vector<16xi32>,
      %min3A_175 = arith.minsi %min3A_168, %get3A_174 : vector<16xi32>
      %mul3A_176 = arith.constant 64 : i32
      %mul3A_177 = arith.muli %scan3A_161, %mul3A_176 : i32
      %add3A_178 = arith.constant 32 : i32
      %add3A_179 = arith.addi %mul3A_177, %add3A_178 : i32
      %get3A_180 = arith.index_cast %add3A_179 : i32 to index
      %get3A_181 = tpu.vector_load %arg5[%get3A_180] {strides = array<i32>} : memref<6496xi32, #tpu.memory_space<vmem>>, vector<16xi32>,
      %min3A_182 = arith.minsi %min3A_175, %get3A_181 : vector<16xi32>
      %mul3A_183 = arith.constant 64 : i32
      %mul3A_184 = arith.muli %scan3A_161, %mul3A_183 : i32
      %add3A_185 = arith.constant 48 : i32
      %add3A_186 = arith.addi %mul3A_184, %add3A_185 : i32
      %get3A_187 = arith.index_cast %add3A_186 : i32 to index
      %get3A_188 = tpu.vector_load %arg5[%get3A_187] {strides = array<i32>} : memref<6496xi32, #tpu.memory_space<vmem>>, vector<16xi32>,
      %min3A_189 = arith.minsi %min3A_182, %get3A_188 : vector<16xi32>
      scf.yield %min3A_189 : vector<16xi32>
    }
    %scan3A_50 = arith.constant 100 : i32
    %swap3A = arith.constant 0 : index
    %swap3A_51 = tpu.vector_load %arg8[%swap3A] {strides = array<i32>} : memref<16xi32, #tpu.memory_space<vmem>>, vector<16xi32>,
    tpu.vector_store %arg8[%swap3A], %scan3A_49 {strides = array<i32>} : memref<16xi32, #tpu.memory_space<vmem>>, vector<16xi32>,
    %mul3A_52 = arith.constant 16 : i32
    %mul3A_53 = arith.muli %arg1, %mul3A_52 : i32
    "tpu.region"() ({
      %run_scoped3A = tpu.sem_alloc : memref<!tpu.dma_semaphore, #tpu.memory_space<semaphore_mem>>
      %dma_start3A_161 = tpu.memref_slice %arg10[%mul3A_53] : memref<256xi32, #tpu.memory_space<vmem_shared>> -> memref<16xi32, #tpu.memory_space<vmem_shared>>
      %dma_start3A_162 = tpu.memref_slice %arg10[%mul3A_53] : memref<256xi32, #tpu.memory_space<vmem_shared>> -> memref<16xi32, #tpu.memory_space<vmem_shared>>
      tpu.enqueue_dma source(%arg8 : memref<16xi32, #tpu.memory_space<vmem>>) target(%dma_start3A_162 : memref<16xi32, #tpu.memory_space<vmem_shared>>) target_semaphore(%run_scoped3A : memref<!tpu.dma_semaphore, #tpu.memory_space<semaphore_mem>>)
      %dma_wait3A_163 = tpu.memref_slice %arg10[%mul3A_53] : memref<256xi32, #tpu.memory_space<vmem_shared>> -> memref<16xi32, #tpu.memory_space<vmem_shared>>
      %dma_wait3A_164 = tpu.memref_slice %arg10[%mul3A_53] : memref<256xi32, #tpu.memory_space<vmem_shared>> -> memref<16xi32, #tpu.memory_space<vmem_shared>>
      tpu.wait_dma2 semaphore(%run_scoped3A : memref<!tpu.dma_semaphore, #tpu.memory_space<semaphore_mem>>) src(%arg8 : memref<16xi32, #tpu.memory_space<vmem>>) dst(%dma_wait3A_164 : memref<16xi32, #tpu.memory_space<vmem_shared>>)
      tpu.yield
    }) : () -> ()
    %barrier3A = arith.constant 0 : index
    tpu.barrier barrier_id(%barrier3A)
    "tpu.region"() ({
      %run_scoped3A = tpu.sem_alloc : memref<!tpu.dma_semaphore, #tpu.memory_space<semaphore_mem>>
      tpu.enqueue_dma source(%arg10 : memref<256xi32, #tpu.memory_space<vmem_shared>>) target(%arg9 : memref<256xi32, #tpu.memory_space<vmem>>) target_semaphore(%run_scoped3A : memref<!tpu.dma_semaphore, #tpu.memory_space<semaphore_mem>>)
      tpu.wait_dma2 semaphore(%run_scoped3A : memref<!tpu.dma_semaphore, #tpu.memory_space<semaphore_mem>>) src(%arg10 : memref<256xi32, #tpu.memory_space<vmem_shared>>) dst(%arg9 : memref<256xi32, #tpu.memory_space<vmem>>)
      tpu.yield
    }) : () -> ()
    %broadcast_in_dim3A_54 = arith.constant 2147483647 : i32
    %broadcast_in_dim3A_55 = vector.broadcast %broadcast_in_dim3A_54 : i32 to vector<16xi32>
    %scan3A_56 = arith.constant 0 : i32
    %scan3A_57 = arith.constant 16 : i32
    %scan3A_58 = arith.addi %scan3A_56, %scan3A_57 : i32
    %scan3A_59 = arith.constant 1 : i32
    %scan3A_60 = scf.for %scan3A_161 = %scan3A_56 to %scan3A_58 step %scan3A_59 iter_args(%scan3A_162 = %broadcast_in_dim3A_55) -> (vector<16xi32>)  : i32 {
      %mul3A_163 = arith.constant 16 : i32
      %mul3A_164 = arith.muli %scan3A_161, %mul3A_163 : i32
      %get3A = arith.index_cast %mul3A_164 : i32 to index
      %get3A_165 = tpu.vector_load %arg9[%get3A] {strides = array<i32>} : memref<256xi32, #tpu.memory_space<vmem>>, vector<16xi32>,
      %min3A_166 = arith.minsi %scan3A_162, %get3A_165 : vector<16xi32>
      scf.yield %min3A_166 : vector<16xi32>
    }
    %scan3A_61 = arith.constant 16 : i32
    %slice3A = vector.extract_strided_slice %scan3A_60 {offsets = [0], sizes = [1], strides = [1]} : vector<16xi32> to vector<1xi32>
    %squeeze3A = vector.extract %slice3A[0] : i32 from vector<1xi32>
    %slice3A_62 = vector.extract_strided_slice %scan3A_60 {offsets = [1], sizes = [1], strides = [1]} : vector<16xi32> to vector<1xi32>
    %squeeze3A_63 = vector.extract %slice3A_62[0] : i32 from vector<1xi32>
    %min3A_64 = arith.minsi %squeeze3A, %squeeze3A_63 : i32
    %slice3A_65 = vector.extract_strided_slice %scan3A_60 {offsets = [2], sizes = [1], strides = [1]} : vector<16xi32> to vector<1xi32>
    %squeeze3A_66 = vector.extract %slice3A_65[0] : i32 from vector<1xi32>
    %min3A_67 = arith.minsi %min3A_64, %squeeze3A_66 : i32
    %slice3A_68 = vector.extract_strided_slice %scan3A_60 {offsets = [3], sizes = [1], strides = [1]} : vector<16xi32> to vector<1xi32>
    %squeeze3A_69 = vector.extract %slice3A_68[0] : i32 from vector<1xi32>
    %min3A_70 = arith.minsi %min3A_67, %squeeze3A_69 : i32
    %slice3A_71 = vector.extract_strided_slice %scan3A_60 {offsets = [4], sizes = [1], strides = [1]} : vector<16xi32> to vector<1xi32>
    %squeeze3A_72 = vector.extract %slice3A_71[0] : i32 from vector<1xi32>
    %min3A_73 = arith.minsi %min3A_70, %squeeze3A_72 : i32
    %slice3A_74 = vector.extract_strided_slice %scan3A_60 {offsets = [5], sizes = [1], strides = [1]} : vector<16xi32> to vector<1xi32>
    %squeeze3A_75 = vector.extract %slice3A_74[0] : i32 from vector<1xi32>
    %min3A_76 = arith.minsi %min3A_73, %squeeze3A_75 : i32
    %slice3A_77 = vector.extract_strided_slice %scan3A_60 {offsets = [6], sizes = [1], strides = [1]} : vector<16xi32> to vector<1xi32>
    %squeeze3A_78 = vector.extract %slice3A_77[0] : i32 from vector<1xi32>
    %min3A_79 = arith.minsi %min3A_76, %squeeze3A_78 : i32
    %slice3A_80 = vector.extract_strided_slice %scan3A_60 {offsets = [7], sizes = [1], strides = [1]} : vector<16xi32> to vector<1xi32>
    %squeeze3A_81 = vector.extract %slice3A_80[0] : i32 from vector<1xi32>
    %min3A_82 = arith.minsi %min3A_79, %squeeze3A_81 : i32
    %slice3A_83 = vector.extract_strided_slice %scan3A_60 {offsets = [8], sizes = [1], strides = [1]} : vector<16xi32> to vector<1xi32>
    %squeeze3A_84 = vector.extract %slice3A_83[0] : i32 from vector<1xi32>
    %min3A_85 = arith.minsi %min3A_82, %squeeze3A_84 : i32
    %slice3A_86 = vector.extract_strided_slice %scan3A_60 {offsets = [9], sizes = [1], strides = [1]} : vector<16xi32> to vector<1xi32>
    %squeeze3A_87 = vector.extract %slice3A_86[0] : i32 from vector<1xi32>
    %min3A_88 = arith.minsi %min3A_85, %squeeze3A_87 : i32
    %slice3A_89 = vector.extract_strided_slice %scan3A_60 {offsets = [10], sizes = [1], strides = [1]} : vector<16xi32> to vector<1xi32>
    %squeeze3A_90 = vector.extract %slice3A_89[0] : i32 from vector<1xi32>
    %min3A_91 = arith.minsi %min3A_88, %squeeze3A_90 : i32
    %slice3A_92 = vector.extract_strided_slice %scan3A_60 {offsets = [11], sizes = [1], strides = [1]} : vector<16xi32> to vector<1xi32>
    %squeeze3A_93 = vector.extract %slice3A_92[0] : i32 from vector<1xi32>
    %min3A_94 = arith.minsi %min3A_91, %squeeze3A_93 : i32
    %slice3A_95 = vector.extract_strided_slice %scan3A_60 {offsets = [12], sizes = [1], strides = [1]} : vector<16xi32> to vector<1xi32>
    %squeeze3A_96 = vector.extract %slice3A_95[0] : i32 from vector<1xi32>
    %min3A_97 = arith.minsi %min3A_94, %squeeze3A_96 : i32
    %slice3A_98 = vector.extract_strided_slice %scan3A_60 {offsets = [13], sizes = [1], strides = [1]} : vector<16xi32> to vector<1xi32>
    %squeeze3A_99 = vector.extract %slice3A_98[0] : i32 from vector<1xi32>
    %min3A_100 = arith.minsi %min3A_97, %squeeze3A_99 : i32
    %slice3A_101 = vector.extract_strided_slice %scan3A_60 {offsets = [14], sizes = [1], strides = [1]} : vector<16xi32> to vector<1xi32>
    %squeeze3A_102 = vector.extract %slice3A_101[0] : i32 from vector<1xi32>
    %min3A_103 = arith.minsi %min3A_100, %squeeze3A_102 : i32
    %slice3A_104 = vector.extract_strided_slice %scan3A_60 {offsets = [15], sizes = [1], strides = [1]} : vector<16xi32> to vector<1xi32>
    %squeeze3A_105 = vector.extract %slice3A_104[0] : i32 from vector<1xi32>
    %min3A_106 = arith.minsi %min3A_103, %squeeze3A_105 : i32
    %dma_wait3A_107 = arith.constant 0 : i32
    %dma_wait3A_108 = tpu.memref_slice %arg6[%dma_wait3A_107] : memref<3424xf32, #tpu.memory_space<vmem>> -> memref<3200xf32, #tpu.memory_space<vmem>>
    %dma_wait3A_109 = tpu.memref_slice %arg3[%min3A_21] : memref<100000xf32, #tpu.memory_space<hbm>> -> memref<3200xf32, #tpu.memory_space<hbm>>
    %dma_wait3A_110 = arith.constant 0 : i32
    %dma_wait3A_111 = tpu.memref_slice %arg6[%dma_wait3A_110] : memref<3424xf32, #tpu.memory_space<vmem>> -> memref<3200xf32, #tpu.memory_space<vmem>>
    %dma_wait3A_112 = tpu.memref_slice %arg3[%min3A_21] : memref<100000xf32, #tpu.memory_space<hbm>> -> memref<3200xf32, #tpu.memory_space<hbm>>
    tpu.wait_dma2 semaphore(%arg12 : memref<!tpu.dma_semaphore, #tpu.memory_space<semaphore_mem>>) src(%dma_wait3A_112 : memref<3200xf32, #tpu.memory_space<hbm>>) dst(%dma_wait3A_111 : memref<3200xf32, #tpu.memory_space<vmem>>)
    %broadcast_in_dim3A_113 = arith.constant 0.000000e+00 : f32
    %broadcast_in_dim3A_114 = vector.broadcast %broadcast_in_dim3A_113 : f32 to vector<16xf32>
    %iota3A = tpu.iota {dimensions = array<i32: 0>} : vector<16xi32>
    %scan3A_115 = arith.constant 0 : i32
    %scan3A_116 = arith.constant 0 : i32
    %scan3A_117 = arith.constant 24 : i32
    %scan3A_118 = arith.addi %scan3A_116, %scan3A_117 : i32
    %scan3A_119 = arith.constant 1 : i32
    scf.for %scan3A_161 = %scan3A_116 to %scan3A_118 step %scan3A_119  : i32 {
      %mul3A_162 = arith.constant 4 : i32
      %mul3A_163 = arith.muli %mul3A_162, %scan3A_161 : i32
      %add3A_164 = arith.constant 0 : i32
      %add3A_165 = arith.addi %mul3A_163, %add3A_164 : i32
      %mul3A_166 = arith.constant 16 : i32
      %mul3A_167 = arith.muli %add3A_165, %mul3A_166 : i32
      %add3A_168 = arith.addi %sub3A, %mul3A_167 : i32
      %get3A = arith.index_cast %add3A_168 : i32 to index
      %get3A_169 = tpu.vector_load %arg5[%get3A] {strides = array<i32>} : memref<6496xi32, #tpu.memory_space<vmem>>, vector<16xi32>,
      %sub3A_170 = vector.broadcast %min3A_106 : i32 to vector<16xi32>
      %sub3A_171 = arith.subi %get3A_169, %sub3A_170 : vector<16xi32>
      %min3A_172 = arith.constant 7 : i32
      %min3A_173 = vector.broadcast %min3A_172 : i32 to vector<16xi32>
      %min3A_174 = arith.minsi %sub3A_171, %min3A_173 : vector<16xi32>
      %max3A = arith.constant 0 : i32
      %max3A_175 = vector.broadcast %max3A : i32 to vector<16xi32>
      %max3A_176 = arith.maxsi %min3A_174, %max3A_175 : vector<16xi32>
      %mul3A_177 = arith.constant 16 : i32
      %mul3A_178 = arith.muli %add3A_165, %mul3A_177 : i32
      %add3A_179 = arith.addi %sub3A_22, %mul3A_178 : i32
      %get3A_180 = arith.index_cast %add3A_179 : i32 to index
      %get3A_181 = tpu.vector_load %arg6[%get3A_180] {strides = array<i32>} : memref<3424xf32, #tpu.memory_space<vmem>>, vector<16xf32>,
      %mul3A_182 = arith.constant 16 : i32
      %mul3A_183 = arith.muli %add3A_165, %mul3A_182 : i32
      %swap3A_184 = arith.constant 0 : i32
      %swap3A_185 = arith.index_cast %swap3A_184 : i32 to index
      %swap3A_186 = arith.index_cast %mul3A_183 : i32 to index
      %swap3A_187 = tpu.vector_load %arg7[%swap3A_185, %swap3A_186] {strides = array<i32>} : memref<8x3200xf32, #tpu.memory_space<vmem>>, vector<16xf32>,
      tpu.vector_store %arg7[%swap3A_185, %swap3A_186], %broadcast_in_dim3A_114 {strides = array<i32>} : memref<8x3200xf32, #tpu.memory_space<vmem>>, vector<16xf32>,
      %mul3A_188 = arith.constant 16 : i32
      %mul3A_189 = arith.muli %add3A_165, %mul3A_188 : i32
      %swap3A_190 = arith.constant 1 : i32
      %swap3A_191 = arith.index_cast %swap3A_190 : i32 to index
      %swap3A_192 = arith.index_cast %mul3A_189 : i32 to index
      %swap3A_193 = tpu.vector_load %arg7[%swap3A_191, %swap3A_192] {strides = array<i32>} : memref<8x3200xf32, #tpu.memory_space<vmem>>, vector<16xf32>,
      tpu.vector_store %arg7[%swap3A_191, %swap3A_192], %broadcast_in_dim3A_114 {strides = array<i32>} : memref<8x3200xf32, #tpu.memory_space<vmem>>, vector<16xf32>,
      %mul3A_194 = arith.constant 16 : i32
      %mul3A_195 = arith.muli %add3A_165, %mul3A_194 : i32
      %swap3A_196 = arith.constant 2 : i32
      %swap3A_197 = arith.index_cast %swap3A_196 : i32 to index
      %swap3A_198 = arith.index_cast %mul3A_195 : i32 to index
      %swap3A_199 = tpu.vector_load %arg7[%swap3A_197, %swap3A_198] {strides = array<i32>} : memref<8x3200xf32, #tpu.memory_space<vmem>>, vector<16xf32>,
      tpu.vector_store %arg7[%swap3A_197, %swap3A_198], %broadcast_in_dim3A_114 {strides = array<i32>} : memref<8x3200xf32, #tpu.memory_space<vmem>>, vector<16xf32>,
      %mul3A_200 = arith.constant 16 : i32
      %mul3A_201 = arith.muli %add3A_165, %mul3A_200 : i32
      %swap3A_202 = arith.constant 3 : i32
      %swap3A_203 = arith.index_cast %swap3A_202 : i32 to index
      %swap3A_204 = arith.index_cast %mul3A_201 : i32 to index
      %swap3A_205 = tpu.vector_load %arg7[%swap3A_203, %swap3A_204] {strides = array<i32>} : memref<8x3200xf32, #tpu.memory_space<vmem>>, vector<16xf32>,
      tpu.vector_store %arg7[%swap3A_203, %swap3A_204], %broadcast_in_dim3A_114 {strides = array<i32>} : memref<8x3200xf32, #tpu.memory_space<vmem>>, vector<16xf32>,
      %mul3A_206 = arith.constant 16 : i32
      %mul3A_207 = arith.muli %add3A_165, %mul3A_206 : i32
      %swap3A_208 = arith.constant 4 : i32
      %swap3A_209 = arith.index_cast %swap3A_208 : i32 to index
      %swap3A_210 = arith.index_cast %mul3A_207 : i32 to index
      %swap3A_211 = tpu.vector_load %arg7[%swap3A_209, %swap3A_210] {strides = array<i32>} : memref<8x3200xf32, #tpu.memory_space<vmem>>, vector<16xf32>,
      tpu.vector_store %arg7[%swap3A_209, %swap3A_210], %broadcast_in_dim3A_114 {strides = array<i32>} : memref<8x3200xf32, #tpu.memory_space<vmem>>, vector<16xf32>,
      %mul3A_212 = arith.constant 16 : i32
      %mul3A_213 = arith.muli %add3A_165, %mul3A_212 : i32
      %swap3A_214 = arith.constant 5 : i32
      %swap3A_215 = arith.index_cast %swap3A_214 : i32 to index
      %swap3A_216 = arith.index_cast %mul3A_213 : i32 to index
      %swap3A_217 = tpu.vector_load %arg7[%swap3A_215, %swap3A_216] {strides = array<i32>} : memref<8x3200xf32, #tpu.memory_space<vmem>>, vector<16xf32>,
      tpu.vector_store %arg7[%swap3A_215, %swap3A_216], %broadcast_in_dim3A_114 {strides = array<i32>} : memref<8x3200xf32, #tpu.memory_space<vmem>>, vector<16xf32>,
      %mul3A_218 = arith.constant 16 : i32
      %mul3A_219 = arith.muli %add3A_165, %mul3A_218 : i32
      %swap3A_220 = arith.constant 6 : i32
      %swap3A_221 = arith.index_cast %swap3A_220 : i32 to index
      %swap3A_222 = arith.index_cast %mul3A_219 : i32 to index
      %swap3A_223 = tpu.vector_load %arg7[%swap3A_221, %swap3A_222] {strides = array<i32>} : memref<8x3200xf32, #tpu.memory_space<vmem>>, vector<16xf32>,
      tpu.vector_store %arg7[%swap3A_221, %swap3A_222], %broadcast_in_dim3A_114 {strides = array<i32>} : memref<8x3200xf32, #tpu.memory_space<vmem>>, vector<16xf32>,
      %mul3A_224 = arith.constant 16 : i32
      %mul3A_225 = arith.muli %add3A_165, %mul3A_224 : i32
      %swap3A_226 = arith.constant 7 : i32
      %swap3A_227 = arith.index_cast %swap3A_226 : i32 to index
      %swap3A_228 = arith.index_cast %mul3A_225 : i32 to index
      %swap3A_229 = tpu.vector_load %arg7[%swap3A_227, %swap3A_228] {strides = array<i32>} : memref<8x3200xf32, #tpu.memory_space<vmem>>, vector<16xf32>,
      tpu.vector_store %arg7[%swap3A_227, %swap3A_228], %broadcast_in_dim3A_114 {strides = array<i32>} : memref<8x3200xf32, #tpu.memory_space<vmem>>, vector<16xf32>,
      %mul3A_230 = arith.constant 16 : i32
      %mul3A_231 = arith.muli %add3A_165, %mul3A_230 : i32
      %add3A_232 = vector.broadcast %mul3A_231 : i32 to vector<16xi32>
      %add3A_233 = arith.addi %add3A_232, %iota3A : vector<16xi32>
      tpu.vector_store_idx %arg7[%max3A_176, %add3A_233], %get3A_181 : memref<8x3200xf32, #tpu.memory_space<vmem>>[vector<16xi32>, vector<16xi32>], vector<16xf32>,
      %mul3A_234 = arith.constant 4 : i32
      %mul3A_235 = arith.muli %mul3A_234, %scan3A_161 : i32
      %add3A_236 = arith.constant 1 : i32
      %add3A_237 = arith.addi %mul3A_235, %add3A_236 : i32
      %mul3A_238 = arith.constant 16 : i32
      %mul3A_239 = arith.muli %add3A_237, %mul3A_238 : i32
      %add3A_240 = arith.addi %sub3A, %mul3A_239 : i32
      %get3A_241 = arith.index_cast %add3A_240 : i32 to index
      %get3A_242 = tpu.vector_load %arg5[%get3A_241] {strides = array<i32>} : memref<6496xi32, #tpu.memory_space<vmem>>, vector<16xi32>,
      %sub3A_243 = vector.broadcast %min3A_106 : i32 to vector<16xi32>
      %sub3A_244 = arith.subi %get3A_242, %sub3A_243 : vector<16xi32>
      %min3A_245 = arith.constant 7 : i32
      %min3A_246 = vector.broadcast %min3A_245 : i32 to vector<16xi32>
      %min3A_247 = arith.minsi %sub3A_244, %min3A_246 : vector<16xi32>
      %max3A_248 = arith.constant 0 : i32
      %max3A_249 = vector.broadcast %max3A_248 : i32 to vector<16xi32>
      %max3A_250 = arith.maxsi %min3A_247, %max3A_249 : vector<16xi32>
      %mul3A_251 = arith.constant 16 : i32
      %mul3A_252 = arith.muli %add3A_237, %mul3A_251 : i32
      %add3A_253 = arith.addi %sub3A_22, %mul3A_252 : i32
      %get3A_254 = arith.index_cast %add3A_253 : i32 to index
      %get3A_255 = tpu.vector_load %arg6[%get3A_254] {strides = array<i32>} : memref<3424xf32, #tpu.memory_space<vmem>>, vector<16xf32>,
      %mul3A_256 = arith.constant 16 : i32
      %mul3A_257 = arith.muli %add3A_237, %mul3A_256 : i32
      %swap3A_258 = arith.constant 0 : i32
      %swap3A_259 = arith.index_cast %swap3A_258 : i32 to index
      %swap3A_260 = arith.index_cast %mul3A_257 : i32 to index
      %swap3A_261 = tpu.vector_load %arg7[%swap3A_259, %swap3A_260] {strides = array<i32>} : memref<8x3200xf32, #tpu.memory_space<vmem>>, vector<16xf32>,
      tpu.vector_store %arg7[%swap3A_259, %swap3A_260], %broadcast_in_dim3A_114 {strides = array<i32>} : memref<8x3200xf32, #tpu.memory_space<vmem>>, vector<16xf32>,
      %mul3A_262 = arith.constant 16 : i32
      %mul3A_263 = arith.muli %add3A_237, %mul3A_262 : i32
      %swap3A_264 = arith.constant 1 : i32
      %swap3A_265 = arith.index_cast %swap3A_264 : i32 to index
      %swap3A_266 = arith.index_cast %mul3A_263 : i32 to index
      %swap3A_267 = tpu.vector_load %arg7[%swap3A_265, %swap3A_266] {strides = array<i32>} : memref<8x3200xf32, #tpu.memory_space<vmem>>, vector<16xf32>,
      tpu.vector_store %arg7[%swap3A_265, %swap3A_266], %broadcast_in_dim3A_114 {strides = array<i32>} : memref<8x3200xf32, #tpu.memory_space<vmem>>, vector<16xf32>,
      %mul3A_268 = arith.constant 16 : i32
      %mul3A_269 = arith.muli %add3A_237, %mul3A_268 : i32
      %swap3A_270 = arith.constant 2 : i32
      %swap3A_271 = arith.index_cast %swap3A_270 : i32 to index
      %swap3A_272 = arith.index_cast %mul3A_269 : i32 to index
      %swap3A_273 = tpu.vector_load %arg7[%swap3A_271, %swap3A_272] {strides = array<i32>} : memref<8x3200xf32, #tpu.memory_space<vmem>>, vector<16xf32>,
      tpu.vector_store %arg7[%swap3A_271, %swap3A_272], %broadcast_in_dim3A_114 {strides = array<i32>} : memref<8x3200xf32, #tpu.memory_space<vmem>>, vector<16xf32>,
      %mul3A_274 = arith.constant 16 : i32
      %mul3A_275 = arith.muli %add3A_237, %mul3A_274 : i32
      %swap3A_276 = arith.constant 3 : i32
      %swap3A_277 = arith.index_cast %swap3A_276 : i32 to index
      %swap3A_278 = arith.index_cast %mul3A_275 : i32 to index
      %swap3A_279 = tpu.vector_load %arg7[%swap3A_277, %swap3A_278] {strides = array<i32>} : memref<8x3200xf32, #tpu.memory_space<vmem>>, vector<16xf32>,
      tpu.vector_store %arg7[%swap3A_277, %swap3A_278], %broadcast_in_dim3A_114 {strides = array<i32>} : memref<8x3200xf32, #tpu.memory_space<vmem>>, vector<16xf32>,
      %mul3A_280 = arith.constant 16 : i32
      %mul3A_281 = arith.muli %add3A_237, %mul3A_280 : i32
      %swap3A_282 = arith.constant 4 : i32
      %swap3A_283 = arith.index_cast %swap3A_282 : i32 to index
      %swap3A_284 = arith.index_cast %mul3A_281 : i32 to index
      %swap3A_285 = tpu.vector_load %arg7[%swap3A_283, %swap3A_284] {strides = array<i32>} : memref<8x3200xf32, #tpu.memory_space<vmem>>, vector<16xf32>,
      tpu.vector_store %arg7[%swap3A_283, %swap3A_284], %broadcast_in_dim3A_114 {strides = array<i32>} : memref<8x3200xf32, #tpu.memory_space<vmem>>, vector<16xf32>,
      %mul3A_286 = arith.constant 16 : i32
      %mul3A_287 = arith.muli %add3A_237, %mul3A_286 : i32
      %swap3A_288 = arith.constant 5 : i32
      %swap3A_289 = arith.index_cast %swap3A_288 : i32 to index
      %swap3A_290 = arith.index_cast %mul3A_287 : i32 to index
      %swap3A_291 = tpu.vector_load %arg7[%swap3A_289, %swap3A_290] {strides = array<i32>} : memref<8x3200xf32, #tpu.memory_space<vmem>>, vector<16xf32>,
      tpu.vector_store %arg7[%swap3A_289, %swap3A_290], %broadcast_in_dim3A_114 {strides = array<i32>} : memref<8x3200xf32, #tpu.memory_space<vmem>>, vector<16xf32>,
      %mul3A_292 = arith.constant 16 : i32
      %mul3A_293 = arith.muli %add3A_237, %mul3A_292 : i32
      %swap3A_294 = arith.constant 6 : i32
      %swap3A_295 = arith.index_cast %swap3A_294 : i32 to index
      %swap3A_296 = arith.index_cast %mul3A_293 : i32 to index
      %swap3A_297 = tpu.vector_load %arg7[%swap3A_295, %swap3A_296] {strides = array<i32>} : memref<8x3200xf32, #tpu.memory_space<vmem>>, vector<16xf32>,
      tpu.vector_store %arg7[%swap3A_295, %swap3A_296], %broadcast_in_dim3A_114 {strides = array<i32>} : memref<8x3200xf32, #tpu.memory_space<vmem>>, vector<16xf32>,
      %mul3A_298 = arith.constant 16 : i32
      %mul3A_299 = arith.muli %add3A_237, %mul3A_298 : i32
      %swap3A_300 = arith.constant 7 : i32
      %swap3A_301 = arith.index_cast %swap3A_300 : i32 to index
      %swap3A_302 = arith.index_cast %mul3A_299 : i32 to index
      %swap3A_303 = tpu.vector_load %arg7[%swap3A_301, %swap3A_302] {strides = array<i32>} : memref<8x3200xf32, #tpu.memory_space<vmem>>, vector<16xf32>,
      tpu.vector_store %arg7[%swap3A_301, %swap3A_302], %broadcast_in_dim3A_114 {strides = array<i32>} : memref<8x3200xf32, #tpu.memory_space<vmem>>, vector<16xf32>,
      %mul3A_304 = arith.constant 16 : i32
      %mul3A_305 = arith.muli %add3A_237, %mul3A_304 : i32
      %add3A_306 = vector.broadcast %mul3A_305 : i32 to vector<16xi32>
      %add3A_307 = arith.addi %add3A_306, %iota3A : vector<16xi32>
      tpu.vector_store_idx %arg7[%max3A_250, %add3A_307], %get3A_255 : memref<8x3200xf32, #tpu.memory_space<vmem>>[vector<16xi32>, vector<16xi32>], vector<16xf32>,
      %mul3A_308 = arith.constant 4 : i32
      %mul3A_309 = arith.muli %mul3A_308, %scan3A_161 : i32
      %add3A_310 = arith.constant 2 : i32
      %add3A_311 = arith.addi %mul3A_309, %add3A_310 : i32
      %mul3A_312 = arith.constant 16 : i32
      %mul3A_313 = arith.muli %add3A_311, %mul3A_312 : i32
      %add3A_314 = arith.addi %sub3A, %mul3A_313 : i32
      %get3A_315 = arith.index_cast %add3A_314 : i32 to index
      %get3A_316 = tpu.vector_load %arg5[%get3A_315] {strides = array<i32>} : memref<6496xi32, #tpu.memory_space<vmem>>, vector<16xi32>,
      %sub3A_317 = vector.broadcast %min3A_106 : i32 to vector<16xi32>
      %sub3A_318 = arith.subi %get3A_316, %sub3A_317 : vector<16xi32>
      %min3A_319 = arith.constant 7 : i32
      %min3A_320 = vector.broadcast %min3A_319 : i32 to vector<16xi32>
      %min3A_321 = arith.minsi %sub3A_318, %min3A_320 : vector<16xi32>
      %max3A_322 = arith.constant 0 : i32
      %max3A_323 = vector.broadcast %max3A_322 : i32 to vector<16xi32>
      %max3A_324 = arith.maxsi %min3A_321, %max3A_323 : vector<16xi32>
      %mul3A_325 = arith.constant 16 : i32
      %mul3A_326 = arith.muli %add3A_311, %mul3A_325 : i32
      %add3A_327 = arith.addi %sub3A_22, %mul3A_326 : i32
      %get3A_328 = arith.index_cast %add3A_327 : i32 to index
      %get3A_329 = tpu.vector_load %arg6[%get3A_328] {strides = array<i32>} : memref<3424xf32, #tpu.memory_space<vmem>>, vector<16xf32>,
      %mul3A_330 = arith.constant 16 : i32
      %mul3A_331 = arith.muli %add3A_311, %mul3A_330 : i32
      %swap3A_332 = arith.constant 0 : i32
      %swap3A_333 = arith.index_cast %swap3A_332 : i32 to index
      %swap3A_334 = arith.index_cast %mul3A_331 : i32 to index
      %swap3A_335 = tpu.vector_load %arg7[%swap3A_333, %swap3A_334] {strides = array<i32>} : memref<8x3200xf32, #tpu.memory_space<vmem>>, vector<16xf32>,
      tpu.vector_store %arg7[%swap3A_333, %swap3A_334], %broadcast_in_dim3A_114 {strides = array<i32>} : memref<8x3200xf32, #tpu.memory_space<vmem>>, vector<16xf32>,
      %mul3A_336 = arith.constant 16 : i32
      %mul3A_337 = arith.muli %add3A_311, %mul3A_336 : i32
      %swap3A_338 = arith.constant 1 : i32
      %swap3A_339 = arith.index_cast %swap3A_338 : i32 to index
      %swap3A_340 = arith.index_cast %mul3A_337 : i32 to index
      %swap3A_341 = tpu.vector_load %arg7[%swap3A_339, %swap3A_340] {strides = array<i32>} : memref<8x3200xf32, #tpu.memory_space<vmem>>, vector<16xf32>,
      tpu.vector_store %arg7[%swap3A_339, %swap3A_340], %broadcast_in_dim3A_114 {strides = array<i32>} : memref<8x3200xf32, #tpu.memory_space<vmem>>, vector<16xf32>,
      %mul3A_342 = arith.constant 16 : i32
      %mul3A_343 = arith.muli %add3A_311, %mul3A_342 : i32
      %swap3A_344 = arith.constant 2 : i32
      %swap3A_345 = arith.index_cast %swap3A_344 : i32 to index
      %swap3A_346 = arith.index_cast %mul3A_343 : i32 to index
      %swap3A_347 = tpu.vector_load %arg7[%swap3A_345, %swap3A_346] {strides = array<i32>} : memref<8x3200xf32, #tpu.memory_space<vmem>>, vector<16xf32>,
      tpu.vector_store %arg7[%swap3A_345, %swap3A_346], %broadcast_in_dim3A_114 {strides = array<i32>} : memref<8x3200xf32, #tpu.memory_space<vmem>>, vector<16xf32>,
      %mul3A_348 = arith.constant 16 : i32
      %mul3A_349 = arith.muli %add3A_311, %mul3A_348 : i32
      %swap3A_350 = arith.constant 3 : i32
      %swap3A_351 = arith.index_cast %swap3A_350 : i32 to index
      %swap3A_352 = arith.index_cast %mul3A_349 : i32 to index
      %swap3A_353 = tpu.vector_load %arg7[%swap3A_351, %swap3A_352] {strides = array<i32>} : memref<8x3200xf32, #tpu.memory_space<vmem>>, vector<16xf32>,
      tpu.vector_store %arg7[%swap3A_351, %swap3A_352], %broadcast_in_dim3A_114 {strides = array<i32>} : memref<8x3200xf32, #tpu.memory_space<vmem>>, vector<16xf32>,
      %mul3A_354 = arith.constant 16 : i32
      %mul3A_355 = arith.muli %add3A_311, %mul3A_354 : i32
      %swap3A_356 = arith.constant 4 : i32
      %swap3A_357 = arith.index_cast %swap3A_356 : i32 to index
      %swap3A_358 = arith.index_cast %mul3A_355 : i32 to index
      %swap3A_359 = tpu.vector_load %arg7[%swap3A_357, %swap3A_358] {strides = array<i32>} : memref<8x3200xf32, #tpu.memory_space<vmem>>, vector<16xf32>,
      tpu.vector_store %arg7[%swap3A_357, %swap3A_358], %broadcast_in_dim3A_114 {strides = array<i32>} : memref<8x3200xf32, #tpu.memory_space<vmem>>, vector<16xf32>,
      %mul3A_360 = arith.constant 16 : i32
      %mul3A_361 = arith.muli %add3A_311, %mul3A_360 : i32
      %swap3A_362 = arith.constant 5 : i32
      %swap3A_363 = arith.index_cast %swap3A_362 : i32 to index
      %swap3A_364 = arith.index_cast %mul3A_361 : i32 to index
      %swap3A_365 = tpu.vector_load %arg7[%swap3A_363, %swap3A_364] {strides = array<i32>} : memref<8x3200xf32, #tpu.memory_space<vmem>>, vector<16xf32>,
      tpu.vector_store %arg7[%swap3A_363, %swap3A_364], %broadcast_in_dim3A_114 {strides = array<i32>} : memref<8x3200xf32, #tpu.memory_space<vmem>>, vector<16xf32>,
      %mul3A_366 = arith.constant 16 : i32
      %mul3A_367 = arith.muli %add3A_311, %mul3A_366 : i32
      %swap3A_368 = arith.constant 6 : i32
      %swap3A_369 = arith.index_cast %swap3A_368 : i32 to index
      %swap3A_370 = arith.index_cast %mul3A_367 : i32 to index
      %swap3A_371 = tpu.vector_load %arg7[%swap3A_369, %swap3A_370] {strides = array<i32>} : memref<8x3200xf32, #tpu.memory_space<vmem>>, vector<16xf32>,
      tpu.vector_store %arg7[%swap3A_369, %swap3A_370], %broadcast_in_dim3A_114 {strides = array<i32>} : memref<8x3200xf32, #tpu.memory_space<vmem>>, vector<16xf32>,
      %mul3A_372 = arith.constant 16 : i32
      %mul3A_373 = arith.muli %add3A_311, %mul3A_372 : i32
      %swap3A_374 = arith.constant 7 : i32
      %swap3A_375 = arith.index_cast %swap3A_374 : i32 to index
      %swap3A_376 = arith.index_cast %mul3A_373 : i32 to index
      %swap3A_377 = tpu.vector_load %arg7[%swap3A_375, %swap3A_376] {strides = array<i32>} : memref<8x3200xf32, #tpu.memory_space<vmem>>, vector<16xf32>,
      tpu.vector_store %arg7[%swap3A_375, %swap3A_376], %broadcast_in_dim3A_114 {strides = array<i32>} : memref<8x3200xf32, #tpu.memory_space<vmem>>, vector<16xf32>,
      %mul3A_378 = arith.constant 16 : i32
      %mul3A_379 = arith.muli %add3A_311, %mul3A_378 : i32
      %add3A_380 = vector.broadcast %mul3A_379 : i32 to vector<16xi32>
      %add3A_381 = arith.addi %add3A_380, %iota3A : vector<16xi32>
      tpu.vector_store_idx %arg7[%max3A_324, %add3A_381], %get3A_329 : memref<8x3200xf32, #tpu.memory_space<vmem>>[vector<16xi32>, vector<16xi32>], vector<16xf32>,
      %mul3A_382 = arith.constant 4 : i32
      %mul3A_383 = arith.muli %mul3A_382, %scan3A_161 : i32
      %add3A_384 = arith.constant 3 : i32
      %add3A_385 = arith.addi %mul3A_383, %add3A_384 : i32
      %mul3A_386 = arith.constant 16 : i32
      %mul3A_387 = arith.muli %add3A_385, %mul3A_386 : i32
      %add3A_388 = arith.addi %sub3A, %mul3A_387 : i32
      %get3A_389 = arith.index_cast %add3A_388 : i32 to index
      %get3A_390 = tpu.vector_load %arg5[%get3A_389] {strides = array<i32>} : memref<6496xi32, #tpu.memory_space<vmem>>, vector<16xi32>,
      %sub3A_391 = vector.broadcast %min3A_106 : i32 to vector<16xi32>
      %sub3A_392 = arith.subi %get3A_390, %sub3A_391 : vector<16xi32>
      %min3A_393 = arith.constant 7 : i32
      %min3A_394 = vector.broadcast %min3A_393 : i32 to vector<16xi32>
      %min3A_395 = arith.minsi %sub3A_392, %min3A_394 : vector<16xi32>
      %max3A_396 = arith.constant 0 : i32
      %max3A_397 = vector.broadcast %max3A_396 : i32 to vector<16xi32>
      %max3A_398 = arith.maxsi %min3A_395, %max3A_397 : vector<16xi32>
      %mul3A_399 = arith.constant 16 : i32
      %mul3A_400 = arith.muli %add3A_385, %mul3A_399 : i32
      %add3A_401 = arith.addi %sub3A_22, %mul3A_400 : i32
      %get3A_402 = arith.index_cast %add3A_401 : i32 to index
      %get3A_403 = tpu.vector_load %arg6[%get3A_402] {strides = array<i32>} : memref<3424xf32, #tpu.memory_space<vmem>>, vector<16xf32>,
      %mul3A_404 = arith.constant 16 : i32
      %mul3A_405 = arith.muli %add3A_385, %mul3A_404 : i32
      %swap3A_406 = arith.constant 0 : i32
      %swap3A_407 = arith.index_cast %swap3A_406 : i32 to index
      %swap3A_408 = arith.index_cast %mul3A_405 : i32 to index
      %swap3A_409 = tpu.vector_load %arg7[%swap3A_407, %swap3A_408] {strides = array<i32>} : memref<8x3200xf32, #tpu.memory_space<vmem>>, vector<16xf32>,
      tpu.vector_store %arg7[%swap3A_407, %swap3A_408], %broadcast_in_dim3A_114 {strides = array<i32>} : memref<8x3200xf32, #tpu.memory_space<vmem>>, vector<16xf32>,
      %mul3A_410 = arith.constant 16 : i32
      %mul3A_411 = arith.muli %add3A_385, %mul3A_410 : i32
      %swap3A_412 = arith.constant 1 : i32
      %swap3A_413 = arith.index_cast %swap3A_412 : i32 to index
      %swap3A_414 = arith.index_cast %mul3A_411 : i32 to index
      %swap3A_415 = tpu.vector_load %arg7[%swap3A_413, %swap3A_414] {strides = array<i32>} : memref<8x3200xf32, #tpu.memory_space<vmem>>, vector<16xf32>,
      tpu.vector_store %arg7[%swap3A_413, %swap3A_414], %broadcast_in_dim3A_114 {strides = array<i32>} : memref<8x3200xf32, #tpu.memory_space<vmem>>, vector<16xf32>,
      %mul3A_416 = arith.constant 16 : i32
      %mul3A_417 = arith.muli %add3A_385, %mul3A_416 : i32
      %swap3A_418 = arith.constant 2 : i32
      %swap3A_419 = arith.index_cast %swap3A_418 : i32 to index
      %swap3A_420 = arith.index_cast %mul3A_417 : i32 to index
      %swap3A_421 = tpu.vector_load %arg7[%swap3A_419, %swap3A_420] {strides = array<i32>} : memref<8x3200xf32, #tpu.memory_space<vmem>>, vector<16xf32>,
      tpu.vector_store %arg7[%swap3A_419, %swap3A_420], %broadcast_in_dim3A_114 {strides = array<i32>} : memref<8x3200xf32, #tpu.memory_space<vmem>>, vector<16xf32>,
      %mul3A_422 = arith.constant 16 : i32
      %mul3A_423 = arith.muli %add3A_385, %mul3A_422 : i32
      %swap3A_424 = arith.constant 3 : i32
      %swap3A_425 = arith.index_cast %swap3A_424 : i32 to index
      %swap3A_426 = arith.index_cast %mul3A_423 : i32 to index
      %swap3A_427 = tpu.vector_load %arg7[%swap3A_425, %swap3A_426] {strides = array<i32>} : memref<8x3200xf32, #tpu.memory_space<vmem>>, vector<16xf32>,
      tpu.vector_store %arg7[%swap3A_425, %swap3A_426], %broadcast_in_dim3A_114 {strides = array<i32>} : memref<8x3200xf32, #tpu.memory_space<vmem>>, vector<16xf32>,
      %mul3A_428 = arith.constant 16 : i32
      %mul3A_429 = arith.muli %add3A_385, %mul3A_428 : i32
      %swap3A_430 = arith.constant 4 : i32
      %swap3A_431 = arith.index_cast %swap3A_430 : i32 to index
      %swap3A_432 = arith.index_cast %mul3A_429 : i32 to index
      %swap3A_433 = tpu.vector_load %arg7[%swap3A_431, %swap3A_432] {strides = array<i32>} : memref<8x3200xf32, #tpu.memory_space<vmem>>, vector<16xf32>,
      tpu.vector_store %arg7[%swap3A_431, %swap3A_432], %broadcast_in_dim3A_114 {strides = array<i32>} : memref<8x3200xf32, #tpu.memory_space<vmem>>, vector<16xf32>,
      %mul3A_434 = arith.constant 16 : i32
      %mul3A_435 = arith.muli %add3A_385, %mul3A_434 : i32
      %swap3A_436 = arith.constant 5 : i32
      %swap3A_437 = arith.index_cast %swap3A_436 : i32 to index
      %swap3A_438 = arith.index_cast %mul3A_435 : i32 to index
      %swap3A_439 = tpu.vector_load %arg7[%swap3A_437, %swap3A_438] {strides = array<i32>} : memref<8x3200xf32, #tpu.memory_space<vmem>>, vector<16xf32>,
      tpu.vector_store %arg7[%swap3A_437, %swap3A_438], %broadcast_in_dim3A_114 {strides = array<i32>} : memref<8x3200xf32, #tpu.memory_space<vmem>>, vector<16xf32>,
      %mul3A_440 = arith.constant 16 : i32
      %mul3A_441 = arith.muli %add3A_385, %mul3A_440 : i32
      %swap3A_442 = arith.constant 6 : i32
      %swap3A_443 = arith.index_cast %swap3A_442 : i32 to index
      %swap3A_444 = arith.index_cast %mul3A_441 : i32 to index
      %swap3A_445 = tpu.vector_load %arg7[%swap3A_443, %swap3A_444] {strides = array<i32>} : memref<8x3200xf32, #tpu.memory_space<vmem>>, vector<16xf32>,
      tpu.vector_store %arg7[%swap3A_443, %swap3A_444], %broadcast_in_dim3A_114 {strides = array<i32>} : memref<8x3200xf32, #tpu.memory_space<vmem>>, vector<16xf32>,
      %mul3A_446 = arith.constant 16 : i32
      %mul3A_447 = arith.muli %add3A_385, %mul3A_446 : i32
      %swap3A_448 = arith.constant 7 : i32
      %swap3A_449 = arith.index_cast %swap3A_448 : i32 to index
      %swap3A_450 = arith.index_cast %mul3A_447 : i32 to index
      %swap3A_451 = tpu.vector_load %arg7[%swap3A_449, %swap3A_450] {strides = array<i32>} : memref<8x3200xf32, #tpu.memory_space<vmem>>, vector<16xf32>,
      tpu.vector_store %arg7[%swap3A_449, %swap3A_450], %broadcast_in_dim3A_114 {strides = array<i32>} : memref<8x3200xf32, #tpu.memory_space<vmem>>, vector<16xf32>,
      %mul3A_452 = arith.constant 16 : i32
      %mul3A_453 = arith.muli %add3A_385, %mul3A_452 : i32
      %add3A_454 = vector.broadcast %mul3A_453 : i32 to vector<16xi32>
      %add3A_455 = arith.addi %add3A_454, %iota3A : vector<16xi32>
      tpu.vector_store_idx %arg7[%max3A_398, %add3A_455], %get3A_403 : memref<8x3200xf32, #tpu.memory_space<vmem>>[vector<16xi32>, vector<16xi32>], vector<16xf32>,
    }
    %scan3A_120 = arith.constant 24 : i32
    %dma_start3A_121 = arith.constant 0 : i32
    %dma_start3A_122 = arith.constant 0 : i32
    %dma_start3A_123 = tpu.memref_slice %arg7[%dma_start3A_121, %dma_start3A_122] : memref<8x3200xf32, #tpu.memory_space<vmem>> -> memref<8x1536xf32, #tpu.memory_space<vmem>>
    %dma_start3A_124 = arith.constant 0 : i32
    %dma_start3A_125 = tpu.memref_slice %arg4[%dma_start3A_124, %mul3A_6] : memref<8x100000xf32, #tpu.memory_space<hbm>> -> memref<8x1536xf32, #tpu.memory_space<hbm>>
    %dma_start3A_126 = arith.constant 0 : i32
    %dma_start3A_127 = tpu.memref_slice %arg4[%dma_start3A_126, %mul3A_6] : memref<8x100000xf32, #tpu.memory_space<hbm>> -> memref<8x1536xf32, #tpu.memory_space<hbm>>
    %dma_start3A_128 = arith.constant 0 : i32
    %dma_start3A_129 = arith.constant 0 : i32
    %dma_start3A_130 = tpu.memref_slice %arg7[%dma_start3A_128, %dma_start3A_129] : memref<8x3200xf32, #tpu.memory_space<vmem>> -> memref<8x1536xf32, #tpu.memory_space<vmem>>
    tpu.enqueue_dma source(%dma_start3A_130 : memref<8x1536xf32, #tpu.memory_space<vmem>>) target(%dma_start3A_127 : memref<8x1536xf32, #tpu.memory_space<hbm>>) target_semaphore(%arg13 : memref<!tpu.dma_semaphore, #tpu.memory_space<semaphore_mem>>)
    %while3A = arith.constant 0 : i32
    %while3A_131 = arith.constant 24 : i32
    %while3A_132 = arith.subi %mul3A_28, %while3A_131 : i32
    %while3A_133 = arith.addi %while3A_131, %while3A_132 : i32
    %while3A_134 = arith.constant 1 : i32
    %while3A_135 = arith.divsi %while3A_132, %while3A_134 : i32
    %while3A_136 = arith.muli %while3A_135, %while3A_134 : i32
    %while3A_137 = arith.addi %while3A_131, %while3A_136 : i32
    %while3A_138 = arith.constant 1 : i32
    scf.for %while3A_161 = %while3A_131 to %while3A_137 step %while3A_138  : i32 {
      %mul3A_162 = arith.constant 4 : i32
      %mul3A_163 = arith.muli %mul3A_162, %while3A_161 : i32
      %add3A_164 = arith.constant 0 : i32
      %add3A_165 = arith.addi %mul3A_163, %add3A_164 : i32
      %mul3A_166 = arith.constant 16 : i32
      %mul3A_167 = arith.muli %add3A_165, %mul3A_166 : i32
      %add3A_168 = arith.addi %sub3A, %mul3A_167 : i32
      %get3A = arith.index_cast %add3A_168 : i32 to index
      %get3A_169 = tpu.vector_load %arg5[%get3A] {strides = array<i32>} : memref<6496xi32, #tpu.memory_space<vmem>>, vector<16xi32>,
      %sub3A_170 = vector.broadcast %min3A_106 : i32 to vector<16xi32>
      %sub3A_171 = arith.subi %get3A_169, %sub3A_170 : vector<16xi32>
      %min3A_172 = arith.constant 7 : i32
      %min3A_173 = vector.broadcast %min3A_172 : i32 to vector<16xi32>
      %min3A_174 = arith.minsi %sub3A_171, %min3A_173 : vector<16xi32>
      %max3A = arith.constant 0 : i32
      %max3A_175 = vector.broadcast %max3A : i32 to vector<16xi32>
      %max3A_176 = arith.maxsi %min3A_174, %max3A_175 : vector<16xi32>
      %mul3A_177 = arith.constant 16 : i32
      %mul3A_178 = arith.muli %add3A_165, %mul3A_177 : i32
      %add3A_179 = arith.addi %sub3A_22, %mul3A_178 : i32
      %get3A_180 = arith.index_cast %add3A_179 : i32 to index
      %get3A_181 = tpu.vector_load %arg6[%get3A_180] {strides = array<i32>} : memref<3424xf32, #tpu.memory_space<vmem>>, vector<16xf32>,
      %mul3A_182 = arith.constant 16 : i32
      %mul3A_183 = arith.muli %add3A_165, %mul3A_182 : i32
      %swap3A_184 = arith.constant 0 : i32
      %swap3A_185 = arith.index_cast %swap3A_184 : i32 to index
      %swap3A_186 = arith.index_cast %mul3A_183 : i32 to index
      %swap3A_187 = tpu.vector_load %arg7[%swap3A_185, %swap3A_186] {strides = array<i32>} : memref<8x3200xf32, #tpu.memory_space<vmem>>, vector<16xf32>,
      tpu.vector_store %arg7[%swap3A_185, %swap3A_186], %broadcast_in_dim3A_114 {strides = array<i32>} : memref<8x3200xf32, #tpu.memory_space<vmem>>, vector<16xf32>,
      %mul3A_188 = arith.constant 16 : i32
      %mul3A_189 = arith.muli %add3A_165, %mul3A_188 : i32
      %swap3A_190 = arith.constant 1 : i32
      %swap3A_191 = arith.index_cast %swap3A_190 : i32 to index
      %swap3A_192 = arith.index_cast %mul3A_189 : i32 to index
      %swap3A_193 = tpu.vector_load %arg7[%swap3A_191, %swap3A_192] {strides = array<i32>} : memref<8x3200xf32, #tpu.memory_space<vmem>>, vector<16xf32>,
      tpu.vector_store %arg7[%swap3A_191, %swap3A_192], %broadcast_in_dim3A_114 {strides = array<i32>} : memref<8x3200xf32, #tpu.memory_space<vmem>>, vector<16xf32>,
      %mul3A_194 = arith.constant 16 : i32
      %mul3A_195 = arith.muli %add3A_165, %mul3A_194 : i32
      %swap3A_196 = arith.constant 2 : i32
      %swap3A_197 = arith.index_cast %swap3A_196 : i32 to index
      %swap3A_198 = arith.index_cast %mul3A_195 : i32 to index
      %swap3A_199 = tpu.vector_load %arg7[%swap3A_197, %swap3A_198] {strides = array<i32>} : memref<8x3200xf32, #tpu.memory_space<vmem>>, vector<16xf32>,
      tpu.vector_store %arg7[%swap3A_197, %swap3A_198], %broadcast_in_dim3A_114 {strides = array<i32>} : memref<8x3200xf32, #tpu.memory_space<vmem>>, vector<16xf32>,
      %mul3A_200 = arith.constant 16 : i32
      %mul3A_201 = arith.muli %add3A_165, %mul3A_200 : i32
      %swap3A_202 = arith.constant 3 : i32
      %swap3A_203 = arith.index_cast %swap3A_202 : i32 to index
      %swap3A_204 = arith.index_cast %mul3A_201 : i32 to index
      %swap3A_205 = tpu.vector_load %arg7[%swap3A_203, %swap3A_204] {strides = array<i32>} : memref<8x3200xf32, #tpu.memory_space<vmem>>, vector<16xf32>,
      tpu.vector_store %arg7[%swap3A_203, %swap3A_204], %broadcast_in_dim3A_114 {strides = array<i32>} : memref<8x3200xf32, #tpu.memory_space<vmem>>, vector<16xf32>,
      %mul3A_206 = arith.constant 16 : i32
      %mul3A_207 = arith.muli %add3A_165, %mul3A_206 : i32
      %swap3A_208 = arith.constant 4 : i32
      %swap3A_209 = arith.index_cast %swap3A_208 : i32 to index
      %swap3A_210 = arith.index_cast %mul3A_207 : i32 to index
      %swap3A_211 = tpu.vector_load %arg7[%swap3A_209, %swap3A_210] {strides = array<i32>} : memref<8x3200xf32, #tpu.memory_space<vmem>>, vector<16xf32>,
      tpu.vector_store %arg7[%swap3A_209, %swap3A_210], %broadcast_in_dim3A_114 {strides = array<i32>} : memref<8x3200xf32, #tpu.memory_space<vmem>>, vector<16xf32>,
      %mul3A_212 = arith.constant 16 : i32
      %mul3A_213 = arith.muli %add3A_165, %mul3A_212 : i32
      %swap3A_214 = arith.constant 5 : i32
      %swap3A_215 = arith.index_cast %swap3A_214 : i32 to index
      %swap3A_216 = arith.index_cast %mul3A_213 : i32 to index
      %swap3A_217 = tpu.vector_load %arg7[%swap3A_215, %swap3A_216] {strides = array<i32>} : memref<8x3200xf32, #tpu.memory_space<vmem>>, vector<16xf32>,
      tpu.vector_store %arg7[%swap3A_215, %swap3A_216], %broadcast_in_dim3A_114 {strides = array<i32>} : memref<8x3200xf32, #tpu.memory_space<vmem>>, vector<16xf32>,
      %mul3A_218 = arith.constant 16 : i32
      %mul3A_219 = arith.muli %add3A_165, %mul3A_218 : i32
      %swap3A_220 = arith.constant 6 : i32
      %swap3A_221 = arith.index_cast %swap3A_220 : i32 to index
      %swap3A_222 = arith.index_cast %mul3A_219 : i32 to index
      %swap3A_223 = tpu.vector_load %arg7[%swap3A_221, %swap3A_222] {strides = array<i32>} : memref<8x3200xf32, #tpu.memory_space<vmem>>, vector<16xf32>,
      tpu.vector_store %arg7[%swap3A_221, %swap3A_222], %broadcast_in_dim3A_114 {strides = array<i32>} : memref<8x3200xf32, #tpu.memory_space<vmem>>, vector<16xf32>,
      %mul3A_224 = arith.constant 16 : i32
      %mul3A_225 = arith.muli %add3A_165, %mul3A_224 : i32
      %swap3A_226 = arith.constant 7 : i32
      %swap3A_227 = arith.index_cast %swap3A_226 : i32 to index
      %swap3A_228 = arith.index_cast %mul3A_225 : i32 to index
      %swap3A_229 = tpu.vector_load %arg7[%swap3A_227, %swap3A_228] {strides = array<i32>} : memref<8x3200xf32, #tpu.memory_space<vmem>>, vector<16xf32>,
      tpu.vector_store %arg7[%swap3A_227, %swap3A_228], %broadcast_in_dim3A_114 {strides = array<i32>} : memref<8x3200xf32, #tpu.memory_space<vmem>>, vector<16xf32>,
      %mul3A_230 = arith.constant 16 : i32
      %mul3A_231 = arith.muli %add3A_165, %mul3A_230 : i32
      %add3A_232 = vector.broadcast %mul3A_231 : i32 to vector<16xi32>
      %add3A_233 = arith.addi %add3A_232, %iota3A : vector<16xi32>
      tpu.vector_store_idx %arg7[%max3A_176, %add3A_233], %get3A_181 : memref<8x3200xf32, #tpu.memory_space<vmem>>[vector<16xi32>, vector<16xi32>], vector<16xf32>,
      %mul3A_234 = arith.constant 4 : i32
      %mul3A_235 = arith.muli %mul3A_234, %while3A_161 : i32
      %add3A_236 = arith.constant 1 : i32
      %add3A_237 = arith.addi %mul3A_235, %add3A_236 : i32
      %mul3A_238 = arith.constant 16 : i32
      %mul3A_239 = arith.muli %add3A_237, %mul3A_238 : i32
      %add3A_240 = arith.addi %sub3A, %mul3A_239 : i32
      %get3A_241 = arith.index_cast %add3A_240 : i32 to index
      %get3A_242 = tpu.vector_load %arg5[%get3A_241] {strides = array<i32>} : memref<6496xi32, #tpu.memory_space<vmem>>, vector<16xi32>,
      %sub3A_243 = vector.broadcast %min3A_106 : i32 to vector<16xi32>
      %sub3A_244 = arith.subi %get3A_242, %sub3A_243 : vector<16xi32>
      %min3A_245 = arith.constant 7 : i32
      %min3A_246 = vector.broadcast %min3A_245 : i32 to vector<16xi32>
      %min3A_247 = arith.minsi %sub3A_244, %min3A_246 : vector<16xi32>
      %max3A_248 = arith.constant 0 : i32
      %max3A_249 = vector.broadcast %max3A_248 : i32 to vector<16xi32>
      %max3A_250 = arith.maxsi %min3A_247, %max3A_249 : vector<16xi32>
      %mul3A_251 = arith.constant 16 : i32
      %mul3A_252 = arith.muli %add3A_237, %mul3A_251 : i32
      %add3A_253 = arith.addi %sub3A_22, %mul3A_252 : i32
      %get3A_254 = arith.index_cast %add3A_253 : i32 to index
      %get3A_255 = tpu.vector_load %arg6[%get3A_254] {strides = array<i32>} : memref<3424xf32, #tpu.memory_space<vmem>>, vector<16xf32>,
      %mul3A_256 = arith.constant 16 : i32
      %mul3A_257 = arith.muli %add3A_237, %mul3A_256 : i32
      %swap3A_258 = arith.constant 0 : i32
      %swap3A_259 = arith.index_cast %swap3A_258 : i32 to index
      %swap3A_260 = arith.index_cast %mul3A_257 : i32 to index
      %swap3A_261 = tpu.vector_load %arg7[%swap3A_259, %swap3A_260] {strides = array<i32>} : memref<8x3200xf32, #tpu.memory_space<vmem>>, vector<16xf32>,
      tpu.vector_store %arg7[%swap3A_259, %swap3A_260], %broadcast_in_dim3A_114 {strides = array<i32>} : memref<8x3200xf32, #tpu.memory_space<vmem>>, vector<16xf32>,
      %mul3A_262 = arith.constant 16 : i32
      %mul3A_263 = arith.muli %add3A_237, %mul3A_262 : i32
      %swap3A_264 = arith.constant 1 : i32
      %swap3A_265 = arith.index_cast %swap3A_264 : i32 to index
      %swap3A_266 = arith.index_cast %mul3A_263 : i32 to index
      %swap3A_267 = tpu.vector_load %arg7[%swap3A_265, %swap3A_266] {strides = array<i32>} : memref<8x3200xf32, #tpu.memory_space<vmem>>, vector<16xf32>,
      tpu.vector_store %arg7[%swap3A_265, %swap3A_266], %broadcast_in_dim3A_114 {strides = array<i32>} : memref<8x3200xf32, #tpu.memory_space<vmem>>, vector<16xf32>,
      %mul3A_268 = arith.constant 16 : i32
      %mul3A_269 = arith.muli %add3A_237, %mul3A_268 : i32
      %swap3A_270 = arith.constant 2 : i32
      %swap3A_271 = arith.index_cast %swap3A_270 : i32 to index
      %swap3A_272 = arith.index_cast %mul3A_269 : i32 to index
      %swap3A_273 = tpu.vector_load %arg7[%swap3A_271, %swap3A_272] {strides = array<i32>} : memref<8x3200xf32, #tpu.memory_space<vmem>>, vector<16xf32>,
      tpu.vector_store %arg7[%swap3A_271, %swap3A_272], %broadcast_in_dim3A_114 {strides = array<i32>} : memref<8x3200xf32, #tpu.memory_space<vmem>>, vector<16xf32>,
      %mul3A_274 = arith.constant 16 : i32
      %mul3A_275 = arith.muli %add3A_237, %mul3A_274 : i32
      %swap3A_276 = arith.constant 3 : i32
      %swap3A_277 = arith.index_cast %swap3A_276 : i32 to index
      %swap3A_278 = arith.index_cast %mul3A_275 : i32 to index
      %swap3A_279 = tpu.vector_load %arg7[%swap3A_277, %swap3A_278] {strides = array<i32>} : memref<8x3200xf32, #tpu.memory_space<vmem>>, vector<16xf32>,
      tpu.vector_store %arg7[%swap3A_277, %swap3A_278], %broadcast_in_dim3A_114 {strides = array<i32>} : memref<8x3200xf32, #tpu.memory_space<vmem>>, vector<16xf32>,
      %mul3A_280 = arith.constant 16 : i32
      %mul3A_281 = arith.muli %add3A_237, %mul3A_280 : i32
      %swap3A_282 = arith.constant 4 : i32
      %swap3A_283 = arith.index_cast %swap3A_282 : i32 to index
      %swap3A_284 = arith.index_cast %mul3A_281 : i32 to index
      %swap3A_285 = tpu.vector_load %arg7[%swap3A_283, %swap3A_284] {strides = array<i32>} : memref<8x3200xf32, #tpu.memory_space<vmem>>, vector<16xf32>,
      tpu.vector_store %arg7[%swap3A_283, %swap3A_284], %broadcast_in_dim3A_114 {strides = array<i32>} : memref<8x3200xf32, #tpu.memory_space<vmem>>, vector<16xf32>,
      %mul3A_286 = arith.constant 16 : i32
      %mul3A_287 = arith.muli %add3A_237, %mul3A_286 : i32
      %swap3A_288 = arith.constant 5 : i32
      %swap3A_289 = arith.index_cast %swap3A_288 : i32 to index
      %swap3A_290 = arith.index_cast %mul3A_287 : i32 to index
      %swap3A_291 = tpu.vector_load %arg7[%swap3A_289, %swap3A_290] {strides = array<i32>} : memref<8x3200xf32, #tpu.memory_space<vmem>>, vector<16xf32>,
      tpu.vector_store %arg7[%swap3A_289, %swap3A_290], %broadcast_in_dim3A_114 {strides = array<i32>} : memref<8x3200xf32, #tpu.memory_space<vmem>>, vector<16xf32>,
      %mul3A_292 = arith.constant 16 : i32
      %mul3A_293 = arith.muli %add3A_237, %mul3A_292 : i32
      %swap3A_294 = arith.constant 6 : i32
      %swap3A_295 = arith.index_cast %swap3A_294 : i32 to index
      %swap3A_296 = arith.index_cast %mul3A_293 : i32 to index
      %swap3A_297 = tpu.vector_load %arg7[%swap3A_295, %swap3A_296] {strides = array<i32>} : memref<8x3200xf32, #tpu.memory_space<vmem>>, vector<16xf32>,
      tpu.vector_store %arg7[%swap3A_295, %swap3A_296], %broadcast_in_dim3A_114 {strides = array<i32>} : memref<8x3200xf32, #tpu.memory_space<vmem>>, vector<16xf32>,
      %mul3A_298 = arith.constant 16 : i32
      %mul3A_299 = arith.muli %add3A_237, %mul3A_298 : i32
      %swap3A_300 = arith.constant 7 : i32
      %swap3A_301 = arith.index_cast %swap3A_300 : i32 to index
      %swap3A_302 = arith.index_cast %mul3A_299 : i32 to index
      %swap3A_303 = tpu.vector_load %arg7[%swap3A_301, %swap3A_302] {strides = array<i32>} : memref<8x3200xf32, #tpu.memory_space<vmem>>, vector<16xf32>,
      tpu.vector_store %arg7[%swap3A_301, %swap3A_302], %broadcast_in_dim3A_114 {strides = array<i32>} : memref<8x3200xf32, #tpu.memory_space<vmem>>, vector<16xf32>,
      %mul3A_304 = arith.constant 16 : i32
      %mul3A_305 = arith.muli %add3A_237, %mul3A_304 : i32
      %add3A_306 = vector.broadcast %mul3A_305 : i32 to vector<16xi32>
      %add3A_307 = arith.addi %add3A_306, %iota3A : vector<16xi32>
      tpu.vector_store_idx %arg7[%max3A_250, %add3A_307], %get3A_255 : memref<8x3200xf32, #tpu.memory_space<vmem>>[vector<16xi32>, vector<16xi32>], vector<16xf32>,
      %mul3A_308 = arith.constant 4 : i32
      %mul3A_309 = arith.muli %mul3A_308, %while3A_161 : i32
      %add3A_310 = arith.constant 2 : i32
      %add3A_311 = arith.addi %mul3A_309, %add3A_310 : i32
      %mul3A_312 = arith.constant 16 : i32
      %mul3A_313 = arith.muli %add3A_311, %mul3A_312 : i32
      %add3A_314 = arith.addi %sub3A, %mul3A_313 : i32
      %get3A_315 = arith.index_cast %add3A_314 : i32 to index
      %get3A_316 = tpu.vector_load %arg5[%get3A_315] {strides = array<i32>} : memref<6496xi32, #tpu.memory_space<vmem>>, vector<16xi32>,
      %sub3A_317 = vector.broadcast %min3A_106 : i32 to vector<16xi32>
      %sub3A_318 = arith.subi %get3A_316, %sub3A_317 : vector<16xi32>
      %min3A_319 = arith.constant 7 : i32
      %min3A_320 = vector.broadcast %min3A_319 : i32 to vector<16xi32>
      %min3A_321 = arith.minsi %sub3A_318, %min3A_320 : vector<16xi32>
      %max3A_322 = arith.constant 0 : i32
      %max3A_323 = vector.broadcast %max3A_322 : i32 to vector<16xi32>
      %max3A_324 = arith.maxsi %min3A_321, %max3A_323 : vector<16xi32>
      %mul3A_325 = arith.constant 16 : i32
      %mul3A_326 = arith.muli %add3A_311, %mul3A_325 : i32
      %add3A_327 = arith.addi %sub3A_22, %mul3A_326 : i32
      %get3A_328 = arith.index_cast %add3A_327 : i32 to index
      %get3A_329 = tpu.vector_load %arg6[%get3A_328] {strides = array<i32>} : memref<3424xf32, #tpu.memory_space<vmem>>, vector<16xf32>,
      %mul3A_330 = arith.constant 16 : i32
      %mul3A_331 = arith.muli %add3A_311, %mul3A_330 : i32
      %swap3A_332 = arith.constant 0 : i32
      %swap3A_333 = arith.index_cast %swap3A_332 : i32 to index
      %swap3A_334 = arith.index_cast %mul3A_331 : i32 to index
      %swap3A_335 = tpu.vector_load %arg7[%swap3A_333, %swap3A_334] {strides = array<i32>} : memref<8x3200xf32, #tpu.memory_space<vmem>>, vector<16xf32>,
      tpu.vector_store %arg7[%swap3A_333, %swap3A_334], %broadcast_in_dim3A_114 {strides = array<i32>} : memref<8x3200xf32, #tpu.memory_space<vmem>>, vector<16xf32>,
      %mul3A_336 = arith.constant 16 : i32
      %mul3A_337 = arith.muli %add3A_311, %mul3A_336 : i32
      %swap3A_338 = arith.constant 1 : i32
      %swap3A_339 = arith.index_cast %swap3A_338 : i32 to index
      %swap3A_340 = arith.index_cast %mul3A_337 : i32 to index
      %swap3A_341 = tpu.vector_load %arg7[%swap3A_339, %swap3A_340] {strides = array<i32>} : memref<8x3200xf32, #tpu.memory_space<vmem>>, vector<16xf32>,
      tpu.vector_store %arg7[%swap3A_339, %swap3A_340], %broadcast_in_dim3A_114 {strides = array<i32>} : memref<8x3200xf32, #tpu.memory_space<vmem>>, vector<16xf32>,
      %mul3A_342 = arith.constant 16 : i32
      %mul3A_343 = arith.muli %add3A_311, %mul3A_342 : i32
      %swap3A_344 = arith.constant 2 : i32
      %swap3A_345 = arith.index_cast %swap3A_344 : i32 to index
      %swap3A_346 = arith.index_cast %mul3A_343 : i32 to index
      %swap3A_347 = tpu.vector_load %arg7[%swap3A_345, %swap3A_346] {strides = array<i32>} : memref<8x3200xf32, #tpu.memory_space<vmem>>, vector<16xf32>,
      tpu.vector_store %arg7[%swap3A_345, %swap3A_346], %broadcast_in_dim3A_114 {strides = array<i32>} : memref<8x3200xf32, #tpu.memory_space<vmem>>, vector<16xf32>,
      %mul3A_348 = arith.constant 16 : i32
      %mul3A_349 = arith.muli %add3A_311, %mul3A_348 : i32
      %swap3A_350 = arith.constant 3 : i32
      %swap3A_351 = arith.index_cast %swap3A_350 : i32 to index
      %swap3A_352 = arith.index_cast %mul3A_349 : i32 to index
      %swap3A_353 = tpu.vector_load %arg7[%swap3A_351, %swap3A_352] {strides = array<i32>} : memref<8x3200xf32, #tpu.memory_space<vmem>>, vector<16xf32>,
      tpu.vector_store %arg7[%swap3A_351, %swap3A_352], %broadcast_in_dim3A_114 {strides = array<i32>} : memref<8x3200xf32, #tpu.memory_space<vmem>>, vector<16xf32>,
      %mul3A_354 = arith.constant 16 : i32
      %mul3A_355 = arith.muli %add3A_311, %mul3A_354 : i32
      %swap3A_356 = arith.constant 4 : i32
      %swap3A_357 = arith.index_cast %swap3A_356 : i32 to index
      %swap3A_358 = arith.index_cast %mul3A_355 : i32 to index
      %swap3A_359 = tpu.vector_load %arg7[%swap3A_357, %swap3A_358] {strides = array<i32>} : memref<8x3200xf32, #tpu.memory_space<vmem>>, vector<16xf32>,
      tpu.vector_store %arg7[%swap3A_357, %swap3A_358], %broadcast_in_dim3A_114 {strides = array<i32>} : memref<8x3200xf32, #tpu.memory_space<vmem>>, vector<16xf32>,
      %mul3A_360 = arith.constant 16 : i32
      %mul3A_361 = arith.muli %add3A_311, %mul3A_360 : i32
      %swap3A_362 = arith.constant 5 : i32
      %swap3A_363 = arith.index_cast %swap3A_362 : i32 to index
      %swap3A_364 = arith.index_cast %mul3A_361 : i32 to index
      %swap3A_365 = tpu.vector_load %arg7[%swap3A_363, %swap3A_364] {strides = array<i32>} : memref<8x3200xf32, #tpu.memory_space<vmem>>, vector<16xf32>,
      tpu.vector_store %arg7[%swap3A_363, %swap3A_364], %broadcast_in_dim3A_114 {strides = array<i32>} : memref<8x3200xf32, #tpu.memory_space<vmem>>, vector<16xf32>,
      %mul3A_366 = arith.constant 16 : i32
      %mul3A_367 = arith.muli %add3A_311, %mul3A_366 : i32
      %swap3A_368 = arith.constant 6 : i32
      %swap3A_369 = arith.index_cast %swap3A_368 : i32 to index
      %swap3A_370 = arith.index_cast %mul3A_367 : i32 to index
      %swap3A_371 = tpu.vector_load %arg7[%swap3A_369, %swap3A_370] {strides = array<i32>} : memref<8x3200xf32, #tpu.memory_space<vmem>>, vector<16xf32>,
      tpu.vector_store %arg7[%swap3A_369, %swap3A_370], %broadcast_in_dim3A_114 {strides = array<i32>} : memref<8x3200xf32, #tpu.memory_space<vmem>>, vector<16xf32>,
      %mul3A_372 = arith.constant 16 : i32
      %mul3A_373 = arith.muli %add3A_311, %mul3A_372 : i32
      %swap3A_374 = arith.constant 7 : i32
      %swap3A_375 = arith.index_cast %swap3A_374 : i32 to index
      %swap3A_376 = arith.index_cast %mul3A_373 : i32 to index
      %swap3A_377 = tpu.vector_load %arg7[%swap3A_375, %swap3A_376] {strides = array<i32>} : memref<8x3200xf32, #tpu.memory_space<vmem>>, vector<16xf32>,
      tpu.vector_store %arg7[%swap3A_375, %swap3A_376], %broadcast_in_dim3A_114 {strides = array<i32>} : memref<8x3200xf32, #tpu.memory_space<vmem>>, vector<16xf32>,
      %mul3A_378 = arith.constant 16 : i32
      %mul3A_379 = arith.muli %add3A_311, %mul3A_378 : i32
      %add3A_380 = vector.broadcast %mul3A_379 : i32 to vector<16xi32>
      %add3A_381 = arith.addi %add3A_380, %iota3A : vector<16xi32>
      tpu.vector_store_idx %arg7[%max3A_324, %add3A_381], %get3A_329 : memref<8x3200xf32, #tpu.memory_space<vmem>>[vector<16xi32>, vector<16xi32>], vector<16xf32>,
      %mul3A_382 = arith.constant 4 : i32
      %mul3A_383 = arith.muli %mul3A_382, %while3A_161 : i32
      %add3A_384 = arith.constant 3 : i32
      %add3A_385 = arith.addi %mul3A_383, %add3A_384 : i32
      %mul3A_386 = arith.constant 16 : i32
      %mul3A_387 = arith.muli %add3A_385, %mul3A_386 : i32
      %add3A_388 = arith.addi %sub3A, %mul3A_387 : i32
      %get3A_389 = arith.index_cast %add3A_388 : i32 to index
      %get3A_390 = tpu.vector_load %arg5[%get3A_389] {strides = array<i32>} : memref<6496xi32, #tpu.memory_space<vmem>>, vector<16xi32>,
      %sub3A_391 = vector.broadcast %min3A_106 : i32 to vector<16xi32>
      %sub3A_392 = arith.subi %get3A_390, %sub3A_391 : vector<16xi32>
      %min3A_393 = arith.constant 7 : i32
      %min3A_394 = vector.broadcast %min3A_393 : i32 to vector<16xi32>
      %min3A_395 = arith.minsi %sub3A_392, %min3A_394 : vector<16xi32>
      %max3A_396 = arith.constant 0 : i32
      %max3A_397 = vector.broadcast %max3A_396 : i32 to vector<16xi32>
      %max3A_398 = arith.maxsi %min3A_395, %max3A_397 : vector<16xi32>
      %mul3A_399 = arith.constant 16 : i32
      %mul3A_400 = arith.muli %add3A_385, %mul3A_399 : i32
      %add3A_401 = arith.addi %sub3A_22, %mul3A_400 : i32
      %get3A_402 = arith.index_cast %add3A_401 : i32 to index
      %get3A_403 = tpu.vector_load %arg6[%get3A_402] {strides = array<i32>} : memref<3424xf32, #tpu.memory_space<vmem>>, vector<16xf32>,
      %mul3A_404 = arith.constant 16 : i32
      %mul3A_405 = arith.muli %add3A_385, %mul3A_404 : i32
      %swap3A_406 = arith.constant 0 : i32
      %swap3A_407 = arith.index_cast %swap3A_406 : i32 to index
      %swap3A_408 = arith.index_cast %mul3A_405 : i32 to index
      %swap3A_409 = tpu.vector_load %arg7[%swap3A_407, %swap3A_408] {strides = array<i32>} : memref<8x3200xf32, #tpu.memory_space<vmem>>, vector<16xf32>,
      tpu.vector_store %arg7[%swap3A_407, %swap3A_408], %broadcast_in_dim3A_114 {strides = array<i32>} : memref<8x3200xf32, #tpu.memory_space<vmem>>, vector<16xf32>,
      %mul3A_410 = arith.constant 16 : i32
      %mul3A_411 = arith.muli %add3A_385, %mul3A_410 : i32
      %swap3A_412 = arith.constant 1 : i32
      %swap3A_413 = arith.index_cast %swap3A_412 : i32 to index
      %swap3A_414 = arith.index_cast %mul3A_411 : i32 to index
      %swap3A_415 = tpu.vector_load %arg7[%swap3A_413, %swap3A_414] {strides = array<i32>} : memref<8x3200xf32, #tpu.memory_space<vmem>>, vector<16xf32>,
      tpu.vector_store %arg7[%swap3A_413, %swap3A_414], %broadcast_in_dim3A_114 {strides = array<i32>} : memref<8x3200xf32, #tpu.memory_space<vmem>>, vector<16xf32>,
      %mul3A_416 = arith.constant 16 : i32
      %mul3A_417 = arith.muli %add3A_385, %mul3A_416 : i32
      %swap3A_418 = arith.constant 2 : i32
      %swap3A_419 = arith.index_cast %swap3A_418 : i32 to index
      %swap3A_420 = arith.index_cast %mul3A_417 : i32 to index
      %swap3A_421 = tpu.vector_load %arg7[%swap3A_419, %swap3A_420] {strides = array<i32>} : memref<8x3200xf32, #tpu.memory_space<vmem>>, vector<16xf32>,
      tpu.vector_store %arg7[%swap3A_419, %swap3A_420], %broadcast_in_dim3A_114 {strides = array<i32>} : memref<8x3200xf32, #tpu.memory_space<vmem>>, vector<16xf32>,
      %mul3A_422 = arith.constant 16 : i32
      %mul3A_423 = arith.muli %add3A_385, %mul3A_422 : i32
      %swap3A_424 = arith.constant 3 : i32
      %swap3A_425 = arith.index_cast %swap3A_424 : i32 to index
      %swap3A_426 = arith.index_cast %mul3A_423 : i32 to index
      %swap3A_427 = tpu.vector_load %arg7[%swap3A_425, %swap3A_426] {strides = array<i32>} : memref<8x3200xf32, #tpu.memory_space<vmem>>, vector<16xf32>,
      tpu.vector_store %arg7[%swap3A_425, %swap3A_426], %broadcast_in_dim3A_114 {strides = array<i32>} : memref<8x3200xf32, #tpu.memory_space<vmem>>, vector<16xf32>,
      %mul3A_428 = arith.constant 16 : i32
      %mul3A_429 = arith.muli %add3A_385, %mul3A_428 : i32
      %swap3A_430 = arith.constant 4 : i32
      %swap3A_431 = arith.index_cast %swap3A_430 : i32 to index
      %swap3A_432 = arith.index_cast %mul3A_429 : i32 to index
      %swap3A_433 = tpu.vector_load %arg7[%swap3A_431, %swap3A_432] {strides = array<i32>} : memref<8x3200xf32, #tpu.memory_space<vmem>>, vector<16xf32>,
      tpu.vector_store %arg7[%swap3A_431, %swap3A_432], %broadcast_in_dim3A_114 {strides = array<i32>} : memref<8x3200xf32, #tpu.memory_space<vmem>>, vector<16xf32>,
      %mul3A_434 = arith.constant 16 : i32
      %mul3A_435 = arith.muli %add3A_385, %mul3A_434 : i32
      %swap3A_436 = arith.constant 5 : i32
      %swap3A_437 = arith.index_cast %swap3A_436 : i32 to index
      %swap3A_438 = arith.index_cast %mul3A_435 : i32 to index
      %swap3A_439 = tpu.vector_load %arg7[%swap3A_437, %swap3A_438] {strides = array<i32>} : memref<8x3200xf32, #tpu.memory_space<vmem>>, vector<16xf32>,
      tpu.vector_store %arg7[%swap3A_437, %swap3A_438], %broadcast_in_dim3A_114 {strides = array<i32>} : memref<8x3200xf32, #tpu.memory_space<vmem>>, vector<16xf32>,
      %mul3A_440 = arith.constant 16 : i32
      %mul3A_441 = arith.muli %add3A_385, %mul3A_440 : i32
      %swap3A_442 = arith.constant 6 : i32
      %swap3A_443 = arith.index_cast %swap3A_442 : i32 to index
      %swap3A_444 = arith.index_cast %mul3A_441 : i32 to index
      %swap3A_445 = tpu.vector_load %arg7[%swap3A_443, %swap3A_444] {strides = array<i32>} : memref<8x3200xf32, #tpu.memory_space<vmem>>, vector<16xf32>,
      tpu.vector_store %arg7[%swap3A_443, %swap3A_444], %broadcast_in_dim3A_114 {strides = array<i32>} : memref<8x3200xf32, #tpu.memory_space<vmem>>, vector<16xf32>,
      %mul3A_446 = arith.constant 16 : i32
      %mul3A_447 = arith.muli %add3A_385, %mul3A_446 : i32
      %swap3A_448 = arith.constant 7 : i32
      %swap3A_449 = arith.index_cast %swap3A_448 : i32 to index
      %swap3A_450 = arith.index_cast %mul3A_447 : i32 to index
      %swap3A_451 = tpu.vector_load %arg7[%swap3A_449, %swap3A_450] {strides = array<i32>} : memref<8x3200xf32, #tpu.memory_space<vmem>>, vector<16xf32>,
      tpu.vector_store %arg7[%swap3A_449, %swap3A_450], %broadcast_in_dim3A_114 {strides = array<i32>} : memref<8x3200xf32, #tpu.memory_space<vmem>>, vector<16xf32>,
      %mul3A_452 = arith.constant 16 : i32
      %mul3A_453 = arith.muli %add3A_385, %mul3A_452 : i32
      %add3A_454 = vector.broadcast %mul3A_453 : i32 to vector<16xi32>
      %add3A_455 = arith.addi %add3A_454, %iota3A : vector<16xi32>
      tpu.vector_store_idx %arg7[%max3A_398, %add3A_455], %get3A_403 : memref<8x3200xf32, #tpu.memory_space<vmem>>[vector<16xi32>, vector<16xi32>], vector<16xf32>,
    }
    %while3A_139 = arith.constant 1 : i32
    scf.for %while3A_161 = %while3A_137 to %while3A_133 step %while3A_139  : i32 {
      %mul3A_162 = arith.constant 4 : i32
      %mul3A_163 = arith.muli %mul3A_162, %while3A_161 : i32
      %add3A_164 = arith.constant 0 : i32
      %add3A_165 = arith.addi %mul3A_163, %add3A_164 : i32
      %mul3A_166 = arith.constant 16 : i32
      %mul3A_167 = arith.muli %add3A_165, %mul3A_166 : i32
      %add3A_168 = arith.addi %sub3A, %mul3A_167 : i32
      %get3A = arith.index_cast %add3A_168 : i32 to index
      %get3A_169 = tpu.vector_load %arg5[%get3A] {strides = array<i32>} : memref<6496xi32, #tpu.memory_space<vmem>>, vector<16xi32>,
      %sub3A_170 = vector.broadcast %min3A_106 : i32 to vector<16xi32>
      %sub3A_171 = arith.subi %get3A_169, %sub3A_170 : vector<16xi32>
      %min3A_172 = arith.constant 7 : i32
      %min3A_173 = vector.broadcast %min3A_172 : i32 to vector<16xi32>
      %min3A_174 = arith.minsi %sub3A_171, %min3A_173 : vector<16xi32>
      %max3A = arith.constant 0 : i32
      %max3A_175 = vector.broadcast %max3A : i32 to vector<16xi32>
      %max3A_176 = arith.maxsi %min3A_174, %max3A_175 : vector<16xi32>
      %mul3A_177 = arith.constant 16 : i32
      %mul3A_178 = arith.muli %add3A_165, %mul3A_177 : i32
      %add3A_179 = arith.addi %sub3A_22, %mul3A_178 : i32
      %get3A_180 = arith.index_cast %add3A_179 : i32 to index
      %get3A_181 = tpu.vector_load %arg6[%get3A_180] {strides = array<i32>} : memref<3424xf32, #tpu.memory_space<vmem>>, vector<16xf32>,
      %mul3A_182 = arith.constant 16 : i32
      %mul3A_183 = arith.muli %add3A_165, %mul3A_182 : i32
      %swap3A_184 = arith.constant 0 : i32
      %swap3A_185 = arith.index_cast %swap3A_184 : i32 to index
      %swap3A_186 = arith.index_cast %mul3A_183 : i32 to index
      %swap3A_187 = tpu.vector_load %arg7[%swap3A_185, %swap3A_186] {strides = array<i32>} : memref<8x3200xf32, #tpu.memory_space<vmem>>, vector<16xf32>,
      tpu.vector_store %arg7[%swap3A_185, %swap3A_186], %broadcast_in_dim3A_114 {strides = array<i32>} : memref<8x3200xf32, #tpu.memory_space<vmem>>, vector<16xf32>,
      %mul3A_188 = arith.constant 16 : i32
      %mul3A_189 = arith.muli %add3A_165, %mul3A_188 : i32
      %swap3A_190 = arith.constant 1 : i32
      %swap3A_191 = arith.index_cast %swap3A_190 : i32 to index
      %swap3A_192 = arith.index_cast %mul3A_189 : i32 to index
      %swap3A_193 = tpu.vector_load %arg7[%swap3A_191, %swap3A_192] {strides = array<i32>} : memref<8x3200xf32, #tpu.memory_space<vmem>>, vector<16xf32>,
      tpu.vector_store %arg7[%swap3A_191, %swap3A_192], %broadcast_in_dim3A_114 {strides = array<i32>} : memref<8x3200xf32, #tpu.memory_space<vmem>>, vector<16xf32>,
      %mul3A_194 = arith.constant 16 : i32
      %mul3A_195 = arith.muli %add3A_165, %mul3A_194 : i32
      %swap3A_196 = arith.constant 2 : i32
      %swap3A_197 = arith.index_cast %swap3A_196 : i32 to index
      %swap3A_198 = arith.index_cast %mul3A_195 : i32 to index
      %swap3A_199 = tpu.vector_load %arg7[%swap3A_197, %swap3A_198] {strides = array<i32>} : memref<8x3200xf32, #tpu.memory_space<vmem>>, vector<16xf32>,
      tpu.vector_store %arg7[%swap3A_197, %swap3A_198], %broadcast_in_dim3A_114 {strides = array<i32>} : memref<8x3200xf32, #tpu.memory_space<vmem>>, vector<16xf32>,
      %mul3A_200 = arith.constant 16 : i32
      %mul3A_201 = arith.muli %add3A_165, %mul3A_200 : i32
      %swap3A_202 = arith.constant 3 : i32
      %swap3A_203 = arith.index_cast %swap3A_202 : i32 to index
      %swap3A_204 = arith.index_cast %mul3A_201 : i32 to index
      %swap3A_205 = tpu.vector_load %arg7[%swap3A_203, %swap3A_204] {strides = array<i32>} : memref<8x3200xf32, #tpu.memory_space<vmem>>, vector<16xf32>,
      tpu.vector_store %arg7[%swap3A_203, %swap3A_204], %broadcast_in_dim3A_114 {strides = array<i32>} : memref<8x3200xf32, #tpu.memory_space<vmem>>, vector<16xf32>,
      %mul3A_206 = arith.constant 16 : i32
      %mul3A_207 = arith.muli %add3A_165, %mul3A_206 : i32
      %swap3A_208 = arith.constant 4 : i32
      %swap3A_209 = arith.index_cast %swap3A_208 : i32 to index
      %swap3A_210 = arith.index_cast %mul3A_207 : i32 to index
      %swap3A_211 = tpu.vector_load %arg7[%swap3A_209, %swap3A_210] {strides = array<i32>} : memref<8x3200xf32, #tpu.memory_space<vmem>>, vector<16xf32>,
      tpu.vector_store %arg7[%swap3A_209, %swap3A_210], %broadcast_in_dim3A_114 {strides = array<i32>} : memref<8x3200xf32, #tpu.memory_space<vmem>>, vector<16xf32>,
      %mul3A_212 = arith.constant 16 : i32
      %mul3A_213 = arith.muli %add3A_165, %mul3A_212 : i32
      %swap3A_214 = arith.constant 5 : i32
      %swap3A_215 = arith.index_cast %swap3A_214 : i32 to index
      %swap3A_216 = arith.index_cast %mul3A_213 : i32 to index
      %swap3A_217 = tpu.vector_load %arg7[%swap3A_215, %swap3A_216] {strides = array<i32>} : memref<8x3200xf32, #tpu.memory_space<vmem>>, vector<16xf32>,
      tpu.vector_store %arg7[%swap3A_215, %swap3A_216], %broadcast_in_dim3A_114 {strides = array<i32>} : memref<8x3200xf32, #tpu.memory_space<vmem>>, vector<16xf32>,
      %mul3A_218 = arith.constant 16 : i32
      %mul3A_219 = arith.muli %add3A_165, %mul3A_218 : i32
      %swap3A_220 = arith.constant 6 : i32
      %swap3A_221 = arith.index_cast %swap3A_220 : i32 to index
      %swap3A_222 = arith.index_cast %mul3A_219 : i32 to index
      %swap3A_223 = tpu.vector_load %arg7[%swap3A_221, %swap3A_222] {strides = array<i32>} : memref<8x3200xf32, #tpu.memory_space<vmem>>, vector<16xf32>,
      tpu.vector_store %arg7[%swap3A_221, %swap3A_222], %broadcast_in_dim3A_114 {strides = array<i32>} : memref<8x3200xf32, #tpu.memory_space<vmem>>, vector<16xf32>,
      %mul3A_224 = arith.constant 16 : i32
      %mul3A_225 = arith.muli %add3A_165, %mul3A_224 : i32
      %swap3A_226 = arith.constant 7 : i32
      %swap3A_227 = arith.index_cast %swap3A_226 : i32 to index
      %swap3A_228 = arith.index_cast %mul3A_225 : i32 to index
      %swap3A_229 = tpu.vector_load %arg7[%swap3A_227, %swap3A_228] {strides = array<i32>} : memref<8x3200xf32, #tpu.memory_space<vmem>>, vector<16xf32>,
      tpu.vector_store %arg7[%swap3A_227, %swap3A_228], %broadcast_in_dim3A_114 {strides = array<i32>} : memref<8x3200xf32, #tpu.memory_space<vmem>>, vector<16xf32>,
      %mul3A_230 = arith.constant 16 : i32
      %mul3A_231 = arith.muli %add3A_165, %mul3A_230 : i32
      %add3A_232 = vector.broadcast %mul3A_231 : i32 to vector<16xi32>
      %add3A_233 = arith.addi %add3A_232, %iota3A : vector<16xi32>
      tpu.vector_store_idx %arg7[%max3A_176, %add3A_233], %get3A_181 : memref<8x3200xf32, #tpu.memory_space<vmem>>[vector<16xi32>, vector<16xi32>], vector<16xf32>,
      %mul3A_234 = arith.constant 4 : i32
      %mul3A_235 = arith.muli %mul3A_234, %while3A_161 : i32
      %add3A_236 = arith.constant 1 : i32
      %add3A_237 = arith.addi %mul3A_235, %add3A_236 : i32
      %mul3A_238 = arith.constant 16 : i32
      %mul3A_239 = arith.muli %add3A_237, %mul3A_238 : i32
      %add3A_240 = arith.addi %sub3A, %mul3A_239 : i32
      %get3A_241 = arith.index_cast %add3A_240 : i32 to index
      %get3A_242 = tpu.vector_load %arg5[%get3A_241] {strides = array<i32>} : memref<6496xi32, #tpu.memory_space<vmem>>, vector<16xi32>,
      %sub3A_243 = vector.broadcast %min3A_106 : i32 to vector<16xi32>
      %sub3A_244 = arith.subi %get3A_242, %sub3A_243 : vector<16xi32>
      %min3A_245 = arith.constant 7 : i32
      %min3A_246 = vector.broadcast %min3A_245 : i32 to vector<16xi32>
      %min3A_247 = arith.minsi %sub3A_244, %min3A_246 : vector<16xi32>
      %max3A_248 = arith.constant 0 : i32
      %max3A_249 = vector.broadcast %max3A_248 : i32 to vector<16xi32>
      %max3A_250 = arith.maxsi %min3A_247, %max3A_249 : vector<16xi32>
      %mul3A_251 = arith.constant 16 : i32
      %mul3A_252 = arith.muli %add3A_237, %mul3A_251 : i32
      %add3A_253 = arith.addi %sub3A_22, %mul3A_252 : i32
      %get3A_254 = arith.index_cast %add3A_253 : i32 to index
      %get3A_255 = tpu.vector_load %arg6[%get3A_254] {strides = array<i32>} : memref<3424xf32, #tpu.memory_space<vmem>>, vector<16xf32>,
      %mul3A_256 = arith.constant 16 : i32
      %mul3A_257 = arith.muli %add3A_237, %mul3A_256 : i32
      %swap3A_258 = arith.constant 0 : i32
      %swap3A_259 = arith.index_cast %swap3A_258 : i32 to index
      %swap3A_260 = arith.index_cast %mul3A_257 : i32 to index
      %swap3A_261 = tpu.vector_load %arg7[%swap3A_259, %swap3A_260] {strides = array<i32>} : memref<8x3200xf32, #tpu.memory_space<vmem>>, vector<16xf32>,
      tpu.vector_store %arg7[%swap3A_259, %swap3A_260], %broadcast_in_dim3A_114 {strides = array<i32>} : memref<8x3200xf32, #tpu.memory_space<vmem>>, vector<16xf32>,
      %mul3A_262 = arith.constant 16 : i32
      %mul3A_263 = arith.muli %add3A_237, %mul3A_262 : i32
      %swap3A_264 = arith.constant 1 : i32
      %swap3A_265 = arith.index_cast %swap3A_264 : i32 to index
      %swap3A_266 = arith.index_cast %mul3A_263 : i32 to index
      %swap3A_267 = tpu.vector_load %arg7[%swap3A_265, %swap3A_266] {strides = array<i32>} : memref<8x3200xf32, #tpu.memory_space<vmem>>, vector<16xf32>,
      tpu.vector_store %arg7[%swap3A_265, %swap3A_266], %broadcast_in_dim3A_114 {strides = array<i32>} : memref<8x3200xf32, #tpu.memory_space<vmem>>, vector<16xf32>,
      %mul3A_268 = arith.constant 16 : i32
      %mul3A_269 = arith.muli %add3A_237, %mul3A_268 : i32
      %swap3A_270 = arith.constant 2 : i32
      %swap3A_271 = arith.index_cast %swap3A_270 : i32 to index
      %swap3A_272 = arith.index_cast %mul3A_269 : i32 to index
      %swap3A_273 = tpu.vector_load %arg7[%swap3A_271, %swap3A_272] {strides = array<i32>} : memref<8x3200xf32, #tpu.memory_space<vmem>>, vector<16xf32>,
      tpu.vector_store %arg7[%swap3A_271, %swap3A_272], %broadcast_in_dim3A_114 {strides = array<i32>} : memref<8x3200xf32, #tpu.memory_space<vmem>>, vector<16xf32>,
      %mul3A_274 = arith.constant 16 : i32
      %mul3A_275 = arith.muli %add3A_237, %mul3A_274 : i32
      %swap3A_276 = arith.constant 3 : i32
      %swap3A_277 = arith.index_cast %swap3A_276 : i32 to index
      %swap3A_278 = arith.index_cast %mul3A_275 : i32 to index
      %swap3A_279 = tpu.vector_load %arg7[%swap3A_277, %swap3A_278] {strides = array<i32>} : memref<8x3200xf32, #tpu.memory_space<vmem>>, vector<16xf32>,
      tpu.vector_store %arg7[%swap3A_277, %swap3A_278], %broadcast_in_dim3A_114 {strides = array<i32>} : memref<8x3200xf32, #tpu.memory_space<vmem>>, vector<16xf32>,
      %mul3A_280 = arith.constant 16 : i32
      %mul3A_281 = arith.muli %add3A_237, %mul3A_280 : i32
      %swap3A_282 = arith.constant 4 : i32
      %swap3A_283 = arith.index_cast %swap3A_282 : i32 to index
      %swap3A_284 = arith.index_cast %mul3A_281 : i32 to index
      %swap3A_285 = tpu.vector_load %arg7[%swap3A_283, %swap3A_284] {strides = array<i32>} : memref<8x3200xf32, #tpu.memory_space<vmem>>, vector<16xf32>,
      tpu.vector_store %arg7[%swap3A_283, %swap3A_284], %broadcast_in_dim3A_114 {strides = array<i32>} : memref<8x3200xf32, #tpu.memory_space<vmem>>, vector<16xf32>,
      %mul3A_286 = arith.constant 16 : i32
      %mul3A_287 = arith.muli %add3A_237, %mul3A_286 : i32
      %swap3A_288 = arith.constant 5 : i32
      %swap3A_289 = arith.index_cast %swap3A_288 : i32 to index
      %swap3A_290 = arith.index_cast %mul3A_287 : i32 to index
      %swap3A_291 = tpu.vector_load %arg7[%swap3A_289, %swap3A_290] {strides = array<i32>} : memref<8x3200xf32, #tpu.memory_space<vmem>>, vector<16xf32>,
      tpu.vector_store %arg7[%swap3A_289, %swap3A_290], %broadcast_in_dim3A_114 {strides = array<i32>} : memref<8x3200xf32, #tpu.memory_space<vmem>>, vector<16xf32>,
      %mul3A_292 = arith.constant 16 : i32
      %mul3A_293 = arith.muli %add3A_237, %mul3A_292 : i32
      %swap3A_294 = arith.constant 6 : i32
      %swap3A_295 = arith.index_cast %swap3A_294 : i32 to index
      %swap3A_296 = arith.index_cast %mul3A_293 : i32 to index
      %swap3A_297 = tpu.vector_load %arg7[%swap3A_295, %swap3A_296] {strides = array<i32>} : memref<8x3200xf32, #tpu.memory_space<vmem>>, vector<16xf32>,
      tpu.vector_store %arg7[%swap3A_295, %swap3A_296], %broadcast_in_dim3A_114 {strides = array<i32>} : memref<8x3200xf32, #tpu.memory_space<vmem>>, vector<16xf32>,
      %mul3A_298 = arith.constant 16 : i32
      %mul3A_299 = arith.muli %add3A_237, %mul3A_298 : i32
      %swap3A_300 = arith.constant 7 : i32
      %swap3A_301 = arith.index_cast %swap3A_300 : i32 to index
      %swap3A_302 = arith.index_cast %mul3A_299 : i32 to index
      %swap3A_303 = tpu.vector_load %arg7[%swap3A_301, %swap3A_302] {strides = array<i32>} : memref<8x3200xf32, #tpu.memory_space<vmem>>, vector<16xf32>,
      tpu.vector_store %arg7[%swap3A_301, %swap3A_302], %broadcast_in_dim3A_114 {strides = array<i32>} : memref<8x3200xf32, #tpu.memory_space<vmem>>, vector<16xf32>,
      %mul3A_304 = arith.constant 16 : i32
      %mul3A_305 = arith.muli %add3A_237, %mul3A_304 : i32
      %add3A_306 = vector.broadcast %mul3A_305 : i32 to vector<16xi32>
      %add3A_307 = arith.addi %add3A_306, %iota3A : vector<16xi32>
      tpu.vector_store_idx %arg7[%max3A_250, %add3A_307], %get3A_255 : memref<8x3200xf32, #tpu.memory_space<vmem>>[vector<16xi32>, vector<16xi32>], vector<16xf32>,
      %mul3A_308 = arith.constant 4 : i32
      %mul3A_309 = arith.muli %mul3A_308, %while3A_161 : i32
      %add3A_310 = arith.constant 2 : i32
      %add3A_311 = arith.addi %mul3A_309, %add3A_310 : i32
      %mul3A_312 = arith.constant 16 : i32
      %mul3A_313 = arith.muli %add3A_311, %mul3A_312 : i32
      %add3A_314 = arith.addi %sub3A, %mul3A_313 : i32
      %get3A_315 = arith.index_cast %add3A_314 : i32 to index
      %get3A_316 = tpu.vector_load %arg5[%get3A_315] {strides = array<i32>} : memref<6496xi32, #tpu.memory_space<vmem>>, vector<16xi32>,
      %sub3A_317 = vector.broadcast %min3A_106 : i32 to vector<16xi32>
      %sub3A_318 = arith.subi %get3A_316, %sub3A_317 : vector<16xi32>
      %min3A_319 = arith.constant 7 : i32
      %min3A_320 = vector.broadcast %min3A_319 : i32 to vector<16xi32>
      %min3A_321 = arith.minsi %sub3A_318, %min3A_320 : vector<16xi32>
      %max3A_322 = arith.constant 0 : i32
      %max3A_323 = vector.broadcast %max3A_322 : i32 to vector<16xi32>
      %max3A_324 = arith.maxsi %min3A_321, %max3A_323 : vector<16xi32>
      %mul3A_325 = arith.constant 16 : i32
      %mul3A_326 = arith.muli %add3A_311, %mul3A_325 : i32
      %add3A_327 = arith.addi %sub3A_22, %mul3A_326 : i32
      %get3A_328 = arith.index_cast %add3A_327 : i32 to index
      %get3A_329 = tpu.vector_load %arg6[%get3A_328] {strides = array<i32>} : memref<3424xf32, #tpu.memory_space<vmem>>, vector<16xf32>,
      %mul3A_330 = arith.constant 16 : i32
      %mul3A_331 = arith.muli %add3A_311, %mul3A_330 : i32
      %swap3A_332 = arith.constant 0 : i32
      %swap3A_333 = arith.index_cast %swap3A_332 : i32 to index
      %swap3A_334 = arith.index_cast %mul3A_331 : i32 to index
      %swap3A_335 = tpu.vector_load %arg7[%swap3A_333, %swap3A_334] {strides = array<i32>} : memref<8x3200xf32, #tpu.memory_space<vmem>>, vector<16xf32>,
      tpu.vector_store %arg7[%swap3A_333, %swap3A_334], %broadcast_in_dim3A_114 {strides = array<i32>} : memref<8x3200xf32, #tpu.memory_space<vmem>>, vector<16xf32>,
      %mul3A_336 = arith.constant 16 : i32
      %mul3A_337 = arith.muli %add3A_311, %mul3A_336 : i32
      %swap3A_338 = arith.constant 1 : i32
      %swap3A_339 = arith.index_cast %swap3A_338 : i32 to index
      %swap3A_340 = arith.index_cast %mul3A_337 : i32 to index
      %swap3A_341 = tpu.vector_load %arg7[%swap3A_339, %swap3A_340] {strides = array<i32>} : memref<8x3200xf32, #tpu.memory_space<vmem>>, vector<16xf32>,
      tpu.vector_store %arg7[%swap3A_339, %swap3A_340], %broadcast_in_dim3A_114 {strides = array<i32>} : memref<8x3200xf32, #tpu.memory_space<vmem>>, vector<16xf32>,
      %mul3A_342 = arith.constant 16 : i32
      %mul3A_343 = arith.muli %add3A_311, %mul3A_342 : i32
      %swap3A_344 = arith.constant 2 : i32
      %swap3A_345 = arith.index_cast %swap3A_344 : i32 to index
      %swap3A_346 = arith.index_cast %mul3A_343 : i32 to index
      %swap3A_347 = tpu.vector_load %arg7[%swap3A_345, %swap3A_346] {strides = array<i32>} : memref<8x3200xf32, #tpu.memory_space<vmem>>, vector<16xf32>,
      tpu.vector_store %arg7[%swap3A_345, %swap3A_346], %broadcast_in_dim3A_114 {strides = array<i32>} : memref<8x3200xf32, #tpu.memory_space<vmem>>, vector<16xf32>,
      %mul3A_348 = arith.constant 16 : i32
      %mul3A_349 = arith.muli %add3A_311, %mul3A_348 : i32
      %swap3A_350 = arith.constant 3 : i32
      %swap3A_351 = arith.index_cast %swap3A_350 : i32 to index
      %swap3A_352 = arith.index_cast %mul3A_349 : i32 to index
      %swap3A_353 = tpu.vector_load %arg7[%swap3A_351, %swap3A_352] {strides = array<i32>} : memref<8x3200xf32, #tpu.memory_space<vmem>>, vector<16xf32>,
      tpu.vector_store %arg7[%swap3A_351, %swap3A_352], %broadcast_in_dim3A_114 {strides = array<i32>} : memref<8x3200xf32, #tpu.memory_space<vmem>>, vector<16xf32>,
      %mul3A_354 = arith.constant 16 : i32
      %mul3A_355 = arith.muli %add3A_311, %mul3A_354 : i32
      %swap3A_356 = arith.constant 4 : i32
      %swap3A_357 = arith.index_cast %swap3A_356 : i32 to index
      %swap3A_358 = arith.index_cast %mul3A_355 : i32 to index
      %swap3A_359 = tpu.vector_load %arg7[%swap3A_357, %swap3A_358] {strides = array<i32>} : memref<8x3200xf32, #tpu.memory_space<vmem>>, vector<16xf32>,
      tpu.vector_store %arg7[%swap3A_357, %swap3A_358], %broadcast_in_dim3A_114 {strides = array<i32>} : memref<8x3200xf32, #tpu.memory_space<vmem>>, vector<16xf32>,
      %mul3A_360 = arith.constant 16 : i32
      %mul3A_361 = arith.muli %add3A_311, %mul3A_360 : i32
      %swap3A_362 = arith.constant 5 : i32
      %swap3A_363 = arith.index_cast %swap3A_362 : i32 to index
      %swap3A_364 = arith.index_cast %mul3A_361 : i32 to index
      %swap3A_365 = tpu.vector_load %arg7[%swap3A_363, %swap3A_364] {strides = array<i32>} : memref<8x3200xf32, #tpu.memory_space<vmem>>, vector<16xf32>,
      tpu.vector_store %arg7[%swap3A_363, %swap3A_364], %broadcast_in_dim3A_114 {strides = array<i32>} : memref<8x3200xf32, #tpu.memory_space<vmem>>, vector<16xf32>,
      %mul3A_366 = arith.constant 16 : i32
      %mul3A_367 = arith.muli %add3A_311, %mul3A_366 : i32
      %swap3A_368 = arith.constant 6 : i32
      %swap3A_369 = arith.index_cast %swap3A_368 : i32 to index
      %swap3A_370 = arith.index_cast %mul3A_367 : i32 to index
      %swap3A_371 = tpu.vector_load %arg7[%swap3A_369, %swap3A_370] {strides = array<i32>} : memref<8x3200xf32, #tpu.memory_space<vmem>>, vector<16xf32>,
      tpu.vector_store %arg7[%swap3A_369, %swap3A_370], %broadcast_in_dim3A_114 {strides = array<i32>} : memref<8x3200xf32, #tpu.memory_space<vmem>>, vector<16xf32>,
      %mul3A_372 = arith.constant 16 : i32
      %mul3A_373 = arith.muli %add3A_311, %mul3A_372 : i32
      %swap3A_374 = arith.constant 7 : i32
      %swap3A_375 = arith.index_cast %swap3A_374 : i32 to index
      %swap3A_376 = arith.index_cast %mul3A_373 : i32 to index
      %swap3A_377 = tpu.vector_load %arg7[%swap3A_375, %swap3A_376] {strides = array<i32>} : memref<8x3200xf32, #tpu.memory_space<vmem>>, vector<16xf32>,
      tpu.vector_store %arg7[%swap3A_375, %swap3A_376], %broadcast_in_dim3A_114 {strides = array<i32>} : memref<8x3200xf32, #tpu.memory_space<vmem>>, vector<16xf32>,
      %mul3A_378 = arith.constant 16 : i32
      %mul3A_379 = arith.muli %add3A_311, %mul3A_378 : i32
      %add3A_380 = vector.broadcast %mul3A_379 : i32 to vector<16xi32>
      %add3A_381 = arith.addi %add3A_380, %iota3A : vector<16xi32>
      tpu.vector_store_idx %arg7[%max3A_324, %add3A_381], %get3A_329 : memref<8x3200xf32, #tpu.memory_space<vmem>>[vector<16xi32>, vector<16xi32>], vector<16xf32>,
      %mul3A_382 = arith.constant 4 : i32
      %mul3A_383 = arith.muli %mul3A_382, %while3A_161 : i32
      %add3A_384 = arith.constant 3 : i32
      %add3A_385 = arith.addi %mul3A_383, %add3A_384 : i32
      %mul3A_386 = arith.constant 16 : i32
      %mul3A_387 = arith.muli %add3A_385, %mul3A_386 : i32
      %add3A_388 = arith.addi %sub3A, %mul3A_387 : i32
      %get3A_389 = arith.index_cast %add3A_388 : i32 to index
      %get3A_390 = tpu.vector_load %arg5[%get3A_389] {strides = array<i32>} : memref<6496xi32, #tpu.memory_space<vmem>>, vector<16xi32>,
      %sub3A_391 = vector.broadcast %min3A_106 : i32 to vector<16xi32>
      %sub3A_392 = arith.subi %get3A_390, %sub3A_391 : vector<16xi32>
      %min3A_393 = arith.constant 7 : i32
      %min3A_394 = vector.broadcast %min3A_393 : i32 to vector<16xi32>
      %min3A_395 = arith.minsi %sub3A_392, %min3A_394 : vector<16xi32>
      %max3A_396 = arith.constant 0 : i32
      %max3A_397 = vector.broadcast %max3A_396 : i32 to vector<16xi32>
      %max3A_398 = arith.maxsi %min3A_395, %max3A_397 : vector<16xi32>
      %mul3A_399 = arith.constant 16 : i32
      %mul3A_400 = arith.muli %add3A_385, %mul3A_399 : i32
      %add3A_401 = arith.addi %sub3A_22, %mul3A_400 : i32
      %get3A_402 = arith.index_cast %add3A_401 : i32 to index
      %get3A_403 = tpu.vector_load %arg6[%get3A_402] {strides = array<i32>} : memref<3424xf32, #tpu.memory_space<vmem>>, vector<16xf32>,
      %mul3A_404 = arith.constant 16 : i32
      %mul3A_405 = arith.muli %add3A_385, %mul3A_404 : i32
      %swap3A_406 = arith.constant 0 : i32
      %swap3A_407 = arith.index_cast %swap3A_406 : i32 to index
      %swap3A_408 = arith.index_cast %mul3A_405 : i32 to index
      %swap3A_409 = tpu.vector_load %arg7[%swap3A_407, %swap3A_408] {strides = array<i32>} : memref<8x3200xf32, #tpu.memory_space<vmem>>, vector<16xf32>,
      tpu.vector_store %arg7[%swap3A_407, %swap3A_408], %broadcast_in_dim3A_114 {strides = array<i32>} : memref<8x3200xf32, #tpu.memory_space<vmem>>, vector<16xf32>,
      %mul3A_410 = arith.constant 16 : i32
      %mul3A_411 = arith.muli %add3A_385, %mul3A_410 : i32
      %swap3A_412 = arith.constant 1 : i32
      %swap3A_413 = arith.index_cast %swap3A_412 : i32 to index
      %swap3A_414 = arith.index_cast %mul3A_411 : i32 to index
      %swap3A_415 = tpu.vector_load %arg7[%swap3A_413, %swap3A_414] {strides = array<i32>} : memref<8x3200xf32, #tpu.memory_space<vmem>>, vector<16xf32>,
      tpu.vector_store %arg7[%swap3A_413, %swap3A_414], %broadcast_in_dim3A_114 {strides = array<i32>} : memref<8x3200xf32, #tpu.memory_space<vmem>>, vector<16xf32>,
      %mul3A_416 = arith.constant 16 : i32
      %mul3A_417 = arith.muli %add3A_385, %mul3A_416 : i32
      %swap3A_418 = arith.constant 2 : i32
      %swap3A_419 = arith.index_cast %swap3A_418 : i32 to index
      %swap3A_420 = arith.index_cast %mul3A_417 : i32 to index
      %swap3A_421 = tpu.vector_load %arg7[%swap3A_419, %swap3A_420] {strides = array<i32>} : memref<8x3200xf32, #tpu.memory_space<vmem>>, vector<16xf32>,
      tpu.vector_store %arg7[%swap3A_419, %swap3A_420], %broadcast_in_dim3A_114 {strides = array<i32>} : memref<8x3200xf32, #tpu.memory_space<vmem>>, vector<16xf32>,
      %mul3A_422 = arith.constant 16 : i32
      %mul3A_423 = arith.muli %add3A_385, %mul3A_422 : i32
      %swap3A_424 = arith.constant 3 : i32
      %swap3A_425 = arith.index_cast %swap3A_424 : i32 to index
      %swap3A_426 = arith.index_cast %mul3A_423 : i32 to index
      %swap3A_427 = tpu.vector_load %arg7[%swap3A_425, %swap3A_426] {strides = array<i32>} : memref<8x3200xf32, #tpu.memory_space<vmem>>, vector<16xf32>,
      tpu.vector_store %arg7[%swap3A_425, %swap3A_426], %broadcast_in_dim3A_114 {strides = array<i32>} : memref<8x3200xf32, #tpu.memory_space<vmem>>, vector<16xf32>,
      %mul3A_428 = arith.constant 16 : i32
      %mul3A_429 = arith.muli %add3A_385, %mul3A_428 : i32
      %swap3A_430 = arith.constant 4 : i32
      %swap3A_431 = arith.index_cast %swap3A_430 : i32 to index
      %swap3A_432 = arith.index_cast %mul3A_429 : i32 to index
      %swap3A_433 = tpu.vector_load %arg7[%swap3A_431, %swap3A_432] {strides = array<i32>} : memref<8x3200xf32, #tpu.memory_space<vmem>>, vector<16xf32>,
      tpu.vector_store %arg7[%swap3A_431, %swap3A_432], %broadcast_in_dim3A_114 {strides = array<i32>} : memref<8x3200xf32, #tpu.memory_space<vmem>>, vector<16xf32>,
      %mul3A_434 = arith.constant 16 : i32
      %mul3A_435 = arith.muli %add3A_385, %mul3A_434 : i32
      %swap3A_436 = arith.constant 5 : i32
      %swap3A_437 = arith.index_cast %swap3A_436 : i32 to index
      %swap3A_438 = arith.index_cast %mul3A_435 : i32 to index
      %swap3A_439 = tpu.vector_load %arg7[%swap3A_437, %swap3A_438] {strides = array<i32>} : memref<8x3200xf32, #tpu.memory_space<vmem>>, vector<16xf32>,
      tpu.vector_store %arg7[%swap3A_437, %swap3A_438], %broadcast_in_dim3A_114 {strides = array<i32>} : memref<8x3200xf32, #tpu.memory_space<vmem>>, vector<16xf32>,
      %mul3A_440 = arith.constant 16 : i32
      %mul3A_441 = arith.muli %add3A_385, %mul3A_440 : i32
      %swap3A_442 = arith.constant 6 : i32
      %swap3A_443 = arith.index_cast %swap3A_442 : i32 to index
      %swap3A_444 = arith.index_cast %mul3A_441 : i32 to index
      %swap3A_445 = tpu.vector_load %arg7[%swap3A_443, %swap3A_444] {strides = array<i32>} : memref<8x3200xf32, #tpu.memory_space<vmem>>, vector<16xf32>,
      tpu.vector_store %arg7[%swap3A_443, %swap3A_444], %broadcast_in_dim3A_114 {strides = array<i32>} : memref<8x3200xf32, #tpu.memory_space<vmem>>, vector<16xf32>,
      %mul3A_446 = arith.constant 16 : i32
      %mul3A_447 = arith.muli %add3A_385, %mul3A_446 : i32
      %swap3A_448 = arith.constant 7 : i32
      %swap3A_449 = arith.index_cast %swap3A_448 : i32 to index
      %swap3A_450 = arith.index_cast %mul3A_447 : i32 to index
      %swap3A_451 = tpu.vector_load %arg7[%swap3A_449, %swap3A_450] {strides = array<i32>} : memref<8x3200xf32, #tpu.memory_space<vmem>>, vector<16xf32>,
      tpu.vector_store %arg7[%swap3A_449, %swap3A_450], %broadcast_in_dim3A_114 {strides = array<i32>} : memref<8x3200xf32, #tpu.memory_space<vmem>>, vector<16xf32>,
      %mul3A_452 = arith.constant 16 : i32
      %mul3A_453 = arith.muli %add3A_385, %mul3A_452 : i32
      %add3A_454 = vector.broadcast %mul3A_453 : i32 to vector<16xi32>
      %add3A_455 = arith.addi %add3A_454, %iota3A : vector<16xi32>
      tpu.vector_store_idx %arg7[%max3A_398, %add3A_455], %get3A_403 : memref<8x3200xf32, #tpu.memory_space<vmem>>[vector<16xi32>, vector<16xi32>], vector<16xf32>,
    }
    %ge3A = arith.constant 31 : i32
    %ge3A_140 = arith.cmpi sge, %add3A, %ge3A : i32
    %convert_element_type3A = arith.extui %lt3A_23 : i1 to i32
    %cond3A = arith.constant 0 : i32
    %cond3A_141 = arith.cmpi ne, %convert_element_type3A, %cond3A : i32
    scf.if %cond3A_141 {
      %add3A_161 = arith.constant 1536 : i32
      %add3A_162 = arith.addi %mul3A_6, %add3A_161 : i32
      "tpu.region"() ({
        %run_scoped3A = tpu.sem_alloc : memref<!tpu.dma_semaphore, #tpu.memory_space<semaphore_mem>>
        %dma_start3A_163 = arith.constant 0 : i32
        %dma_start3A_164 = arith.constant 1536 : i32
        %dma_start3A_165 = tpu.memref_slice %arg7[%dma_start3A_163, %dma_start3A_164] : memref<8x3200xf32, #tpu.memory_space<vmem>> -> memref<8x1664xf32, #tpu.memory_space<vmem>>
        %dma_start3A_166 = arith.constant 0 : i32
        %dma_start3A_167 = tpu.memref_slice %arg4[%dma_start3A_166, %add3A_162] : memref<8x100000xf32, #tpu.memory_space<hbm>> -> memref<8x1664xf32, #tpu.memory_space<hbm>>
        %dma_start3A_168 = arith.constant 0 : i32
        %dma_start3A_169 = tpu.memref_slice %arg4[%dma_start3A_168, %add3A_162] : memref<8x100000xf32, #tpu.memory_space<hbm>> -> memref<8x1664xf32, #tpu.memory_space<hbm>>
        %dma_start3A_170 = arith.constant 0 : i32
        %dma_start3A_171 = arith.constant 1536 : i32
        %dma_start3A_172 = tpu.memref_slice %arg7[%dma_start3A_170, %dma_start3A_171] : memref<8x3200xf32, #tpu.memory_space<vmem>> -> memref<8x1664xf32, #tpu.memory_space<vmem>>
        tpu.enqueue_dma source(%dma_start3A_172 : memref<8x1664xf32, #tpu.memory_space<vmem>>) target(%dma_start3A_169 : memref<8x1664xf32, #tpu.memory_space<hbm>>) target_semaphore(%run_scoped3A : memref<!tpu.dma_semaphore, #tpu.memory_space<semaphore_mem>>)
        %dma_wait3A_173 = arith.constant 0 : i32
        %dma_wait3A_174 = arith.constant 1536 : i32
        %dma_wait3A_175 = tpu.memref_slice %arg7[%dma_wait3A_173, %dma_wait3A_174] : memref<8x3200xf32, #tpu.memory_space<vmem>> -> memref<8x1664xf32, #tpu.memory_space<vmem>>
        %dma_wait3A_176 = arith.constant 0 : i32
        %dma_wait3A_177 = tpu.memref_slice %arg4[%dma_wait3A_176, %add3A_162] : memref<8x100000xf32, #tpu.memory_space<hbm>> -> memref<8x1664xf32, #tpu.memory_space<hbm>>
        %dma_wait3A_178 = arith.constant 0 : i32
        %dma_wait3A_179 = tpu.memref_slice %arg4[%dma_wait3A_178, %add3A_162] : memref<8x100000xf32, #tpu.memory_space<hbm>> -> memref<8x1664xf32, #tpu.memory_space<hbm>>
        %dma_wait3A_180 = arith.constant 0 : i32
        %dma_wait3A_181 = arith.constant 1536 : i32
        %dma_wait3A_182 = tpu.memref_slice %arg7[%dma_wait3A_180, %dma_wait3A_181] : memref<8x3200xf32, #tpu.memory_space<vmem>> -> memref<8x1664xf32, #tpu.memory_space<vmem>>
        tpu.wait_dma2 semaphore(%run_scoped3A : memref<!tpu.dma_semaphore, #tpu.memory_space<semaphore_mem>>) src(%dma_wait3A_182 : memref<8x1664xf32, #tpu.memory_space<vmem>>) dst(%dma_wait3A_179 : memref<8x1664xf32, #tpu.memory_space<hbm>>)
        tpu.yield
      }) : () -> ()
    } else {
    }
    %not3A = arith.constant true
    %not3A_142 = arith.xori %lt3A_23, %not3A : i1
    %not3A_143 = arith.constant true
    %not3A_144 = arith.xori %ge3A_140, %not3A_143 : i1
    %and3A = arith.andi %not3A_142, %not3A_144 : i1
    %convert_element_type3A_145 = arith.extui %and3A : i1 to i32
    %cond3A_146 = arith.constant 0 : i32
    %cond3A_147 = arith.cmpi ne, %convert_element_type3A_145, %cond3A_146 : i32
    scf.if %cond3A_147 {
      %add3A_161 = arith.constant 1536 : i32
      %add3A_162 = arith.addi %mul3A_6, %add3A_161 : i32
      "tpu.region"() ({
        %run_scoped3A = tpu.sem_alloc : memref<!tpu.dma_semaphore, #tpu.memory_space<semaphore_mem>>
        %dma_start3A_163 = arith.constant 0 : i32
        %dma_start3A_164 = arith.constant 1536 : i32
        %dma_start3A_165 = tpu.memref_slice %arg7[%dma_start3A_163, %dma_start3A_164] : memref<8x3200xf32, #tpu.memory_space<vmem>> -> memref<8x1536xf32, #tpu.memory_space<vmem>>
        %dma_start3A_166 = arith.constant 0 : i32
        %dma_start3A_167 = tpu.memref_slice %arg4[%dma_start3A_166, %add3A_162] : memref<8x100000xf32, #tpu.memory_space<hbm>> -> memref<8x1536xf32, #tpu.memory_space<hbm>>
        %dma_start3A_168 = arith.constant 0 : i32
        %dma_start3A_169 = tpu.memref_slice %arg4[%dma_start3A_168, %add3A_162] : memref<8x100000xf32, #tpu.memory_space<hbm>> -> memref<8x1536xf32, #tpu.memory_space<hbm>>
        %dma_start3A_170 = arith.constant 0 : i32
        %dma_start3A_171 = arith.constant 1536 : i32
        %dma_start3A_172 = tpu.memref_slice %arg7[%dma_start3A_170, %dma_start3A_171] : memref<8x3200xf32, #tpu.memory_space<vmem>> -> memref<8x1536xf32, #tpu.memory_space<vmem>>
        tpu.enqueue_dma source(%dma_start3A_172 : memref<8x1536xf32, #tpu.memory_space<vmem>>) target(%dma_start3A_169 : memref<8x1536xf32, #tpu.memory_space<hbm>>) target_semaphore(%run_scoped3A : memref<!tpu.dma_semaphore, #tpu.memory_space<semaphore_mem>>)
        %dma_wait3A_173 = arith.constant 0 : i32
        %dma_wait3A_174 = arith.constant 1536 : i32
        %dma_wait3A_175 = tpu.memref_slice %arg7[%dma_wait3A_173, %dma_wait3A_174] : memref<8x3200xf32, #tpu.memory_space<vmem>> -> memref<8x1536xf32, #tpu.memory_space<vmem>>
        %dma_wait3A_176 = arith.constant 0 : i32
        %dma_wait3A_177 = tpu.memref_slice %arg4[%dma_wait3A_176, %add3A_162] : memref<8x100000xf32, #tpu.memory_space<hbm>> -> memref<8x1536xf32, #tpu.memory_space<hbm>>
        %dma_wait3A_178 = arith.constant 0 : i32
        %dma_wait3A_179 = tpu.memref_slice %arg4[%dma_wait3A_178, %add3A_162] : memref<8x100000xf32, #tpu.memory_space<hbm>> -> memref<8x1536xf32, #tpu.memory_space<hbm>>
        %dma_wait3A_180 = arith.constant 0 : i32
        %dma_wait3A_181 = arith.constant 1536 : i32
        %dma_wait3A_182 = tpu.memref_slice %arg7[%dma_wait3A_180, %dma_wait3A_181] : memref<8x3200xf32, #tpu.memory_space<vmem>> -> memref<8x1536xf32, #tpu.memory_space<vmem>>
        tpu.wait_dma2 semaphore(%run_scoped3A : memref<!tpu.dma_semaphore, #tpu.memory_space<semaphore_mem>>) src(%dma_wait3A_182 : memref<8x1536xf32, #tpu.memory_space<vmem>>) dst(%dma_wait3A_179 : memref<8x1536xf32, #tpu.memory_space<hbm>>)
        tpu.yield
      }) : () -> ()
    } else {
    }
    %convert_element_type3A_148 = arith.extui %ge3A_140 : i1 to i32
    %cond3A_149 = arith.constant 0 : i32
    %cond3A_150 = arith.cmpi ne, %convert_element_type3A_148, %cond3A_149 : i32
    scf.if %cond3A_150 {
      %add3A_161 = arith.constant 1536 : i32
      %add3A_162 = arith.addi %mul3A_6, %add3A_161 : i32
      "tpu.region"() ({
        %run_scoped3A = tpu.sem_alloc : memref<!tpu.dma_semaphore, #tpu.memory_space<semaphore_mem>>
        %dma_start3A_165 = arith.constant 0 : i32
        %dma_start3A_166 = arith.constant 1536 : i32
        %dma_start3A_167 = tpu.memref_slice %arg7[%dma_start3A_165, %dma_start3A_166] : memref<8x3200xf32, #tpu.memory_space<vmem>> -> memref<8x1408xf32, #tpu.memory_space<vmem>>
        %dma_start3A_168 = arith.constant 0 : i32
        %dma_start3A_169 = tpu.memref_slice %arg4[%dma_start3A_168, %add3A_162] : memref<8x100000xf32, #tpu.memory_space<hbm>> -> memref<8x1408xf32, #tpu.memory_space<hbm>>
        %dma_start3A_170 = arith.constant 0 : i32
        %dma_start3A_171 = tpu.memref_slice %arg4[%dma_start3A_170, %add3A_162] : memref<8x100000xf32, #tpu.memory_space<hbm>> -> memref<8x1408xf32, #tpu.memory_space<hbm>>
        %dma_start3A_172 = arith.constant 0 : i32
        %dma_start3A_173 = arith.constant 1536 : i32
        %dma_start3A_174 = tpu.memref_slice %arg7[%dma_start3A_172, %dma_start3A_173] : memref<8x3200xf32, #tpu.memory_space<vmem>> -> memref<8x1408xf32, #tpu.memory_space<vmem>>
        tpu.enqueue_dma source(%dma_start3A_174 : memref<8x1408xf32, #tpu.memory_space<vmem>>) target(%dma_start3A_171 : memref<8x1408xf32, #tpu.memory_space<hbm>>) target_semaphore(%run_scoped3A : memref<!tpu.dma_semaphore, #tpu.memory_space<semaphore_mem>>)
        %dma_wait3A_175 = arith.constant 0 : i32
        %dma_wait3A_176 = arith.constant 1536 : i32
        %dma_wait3A_177 = tpu.memref_slice %arg7[%dma_wait3A_175, %dma_wait3A_176] : memref<8x3200xf32, #tpu.memory_space<vmem>> -> memref<8x1408xf32, #tpu.memory_space<vmem>>
        %dma_wait3A_178 = arith.constant 0 : i32
        %dma_wait3A_179 = tpu.memref_slice %arg4[%dma_wait3A_178, %add3A_162] : memref<8x100000xf32, #tpu.memory_space<hbm>> -> memref<8x1408xf32, #tpu.memory_space<hbm>>
        %dma_wait3A_180 = arith.constant 0 : i32
        %dma_wait3A_181 = tpu.memref_slice %arg4[%dma_wait3A_180, %add3A_162] : memref<8x100000xf32, #tpu.memory_space<hbm>> -> memref<8x1408xf32, #tpu.memory_space<hbm>>
        %dma_wait3A_182 = arith.constant 0 : i32
        %dma_wait3A_183 = arith.constant 1536 : i32
        %dma_wait3A_184 = tpu.memref_slice %arg7[%dma_wait3A_182, %dma_wait3A_183] : memref<8x3200xf32, #tpu.memory_space<vmem>> -> memref<8x1408xf32, #tpu.memory_space<vmem>>
        tpu.wait_dma2 semaphore(%run_scoped3A : memref<!tpu.dma_semaphore, #tpu.memory_space<semaphore_mem>>) src(%dma_wait3A_184 : memref<8x1408xf32, #tpu.memory_space<vmem>>) dst(%dma_wait3A_181 : memref<8x1408xf32, #tpu.memory_space<hbm>>)
        tpu.yield
      }) : () -> ()
      %add3A_163 = arith.constant 2944 : i32
      %add3A_164 = arith.addi %mul3A_6, %add3A_163 : i32
      "tpu.region"() ({
        %run_scoped3A = tpu.sem_alloc : memref<!tpu.dma_semaphore, #tpu.memory_space<semaphore_mem>>
        %dma_start3A_165 = arith.constant 0 : i32
        %dma_start3A_166 = arith.constant 2944 : i32
        %dma_start3A_167 = tpu.memref_slice %arg7[%dma_start3A_165, %dma_start3A_166] : memref<8x3200xf32, #tpu.memory_space<vmem>> -> memref<8x32xf32, #tpu.memory_space<vmem>>
        %dma_start3A_168 = arith.constant 0 : i32
        %dma_start3A_169 = tpu.memref_slice %arg4[%dma_start3A_168, %add3A_164] : memref<8x100000xf32, #tpu.memory_space<hbm>> -> memref<8x32xf32, #tpu.memory_space<hbm>>
        %dma_start3A_170 = arith.constant 0 : i32
        %dma_start3A_171 = tpu.memref_slice %arg4[%dma_start3A_170, %add3A_164] : memref<8x100000xf32, #tpu.memory_space<hbm>> -> memref<8x32xf32, #tpu.memory_space<hbm>>
        %dma_start3A_172 = arith.constant 0 : i32
        %dma_start3A_173 = arith.constant 2944 : i32
        %dma_start3A_174 = tpu.memref_slice %arg7[%dma_start3A_172, %dma_start3A_173] : memref<8x3200xf32, #tpu.memory_space<vmem>> -> memref<8x32xf32, #tpu.memory_space<vmem>>
        tpu.enqueue_dma source(%dma_start3A_174 : memref<8x32xf32, #tpu.memory_space<vmem>>) target(%dma_start3A_171 : memref<8x32xf32, #tpu.memory_space<hbm>>) target_semaphore(%run_scoped3A : memref<!tpu.dma_semaphore, #tpu.memory_space<semaphore_mem>>)
        %dma_wait3A_175 = arith.constant 0 : i32
        %dma_wait3A_176 = arith.constant 2944 : i32
        %dma_wait3A_177 = tpu.memref_slice %arg7[%dma_wait3A_175, %dma_wait3A_176] : memref<8x3200xf32, #tpu.memory_space<vmem>> -> memref<8x32xf32, #tpu.memory_space<vmem>>
        %dma_wait3A_178 = arith.constant 0 : i32
        %dma_wait3A_179 = tpu.memref_slice %arg4[%dma_wait3A_178, %add3A_164] : memref<8x100000xf32, #tpu.memory_space<hbm>> -> memref<8x32xf32, #tpu.memory_space<hbm>>
        %dma_wait3A_180 = arith.constant 0 : i32
        %dma_wait3A_181 = tpu.memref_slice %arg4[%dma_wait3A_180, %add3A_164] : memref<8x100000xf32, #tpu.memory_space<hbm>> -> memref<8x32xf32, #tpu.memory_space<hbm>>
        %dma_wait3A_182 = arith.constant 0 : i32
        %dma_wait3A_183 = arith.constant 2944 : i32
        %dma_wait3A_184 = tpu.memref_slice %arg7[%dma_wait3A_182, %dma_wait3A_183] : memref<8x3200xf32, #tpu.memory_space<vmem>> -> memref<8x32xf32, #tpu.memory_space<vmem>>
        tpu.wait_dma2 semaphore(%run_scoped3A : memref<!tpu.dma_semaphore, #tpu.memory_space<semaphore_mem>>) src(%dma_wait3A_184 : memref<8x32xf32, #tpu.memory_space<vmem>>) dst(%dma_wait3A_181 : memref<8x32xf32, #tpu.memory_space<hbm>>)
        tpu.yield
      }) : () -> ()
    } else {
    }
    %dma_wait3A_151 = arith.constant 0 : i32
    %dma_wait3A_152 = arith.constant 0 : i32
    %dma_wait3A_153 = tpu.memref_slice %arg7[%dma_wait3A_151, %dma_wait3A_152] : memref<8x3200xf32, #tpu.memory_space<vmem>> -> memref<8x1536xf32, #tpu.memory_space<vmem>>
    %dma_wait3A_154 = arith.constant 0 : i32
    %dma_wait3A_155 = tpu.memref_slice %arg4[%dma_wait3A_154, %mul3A_6] : memref<8x100000xf32, #tpu.memory_space<hbm>> -> memref<8x1536xf32, #tpu.memory_space<hbm>>
    %dma_wait3A_156 = arith.constant 0 : i32
    %dma_wait3A_157 = tpu.memref_slice %arg4[%dma_wait3A_156, %mul3A_6] : memref<8x100000xf32, #tpu.memory_space<hbm>> -> memref<8x1536xf32, #tpu.memory_space<hbm>>
    %dma_wait3A_158 = arith.constant 0 : i32
    %dma_wait3A_159 = arith.constant 0 : i32
    %dma_wait3A_160 = tpu.memref_slice %arg7[%dma_wait3A_158, %dma_wait3A_159] : memref<8x3200xf32, #tpu.memory_space<vmem>> -> memref<8x1536xf32, #tpu.memory_space<vmem>>
    tpu.wait_dma2 semaphore(%arg13 : memref<!tpu.dma_semaphore, #tpu.memory_space<semaphore_mem>>) src(%dma_wait3A_160 : memref<8x1536xf32, #tpu.memory_space<vmem>>) dst(%dma_wait3A_157 : memref<8x1536xf32, #tpu.memory_space<hbm>>)
    return
  }
}

</mosaic_0001>

<sc_bundles>
// kernel: kernel.3.cloned.1.call-start
scs
__scs_entry_jumppad:
0x0: {  	(pc) =	sbr.rel $0x88, $3  }
0x1: {  	(tag) =	ssettag $0x0;
	lr =	simm.s32 $0x1  }
0x2: {  	[smem:$0x3F9F] =	sst lr;
	_ =	strace $0xD0000000  }
0x3: {  	_ = 	snop  }
0x4: {  	_ = 	snop  }
0x5: {  	_ = 	snop  }
0x6: {  	_ = 	snop  }
0x7: {  	_ = 	snop  }
__scs_overlays_trampoline_lowered:
0x8: {  	[smem:$0x3FAE] =	sst s0  }
0x9: {  	[smem:$0x3FAF] =	sst s1  }
0xa: {  	[smem:$0x3FB0] =	sst s2  }
0xb: {  	[smem:$0x3FB1] =	sst s3  }
0xc: {  	[smem:$0x3FB2] =	sst s4  }
0xd: {  	[smem:$0x3FB3] =	sst s5  }
0xe: {  	[smem:$0x3FB4] =	sst s6  }
0xf: {  	[smem:$0x3FB5] =	sst s7  }
0x10: {  	[smem:$0x3FB6] =	sst s8  }
0x11: {  	[smem:$0x3FB7] =	sst s9;
	s0 =	simm.s32 @!p0 $0x0  }
0x12: {  	s1 =	sld [smem:$0x3F9D];
	s0 =	simm.s32 @p0 $0x1  }
0x13: {  	[smem:$0x3FB8] =	sst s0;
	s0 =	simm.s32 @!p1 $0x0  }
0x14: {  	s2 =	sld [smem:$0x3F9C];
	s0 =	simm.s32 @p1 $0x1  }
0x15: {  	[smem:$0x3FB9] =	sst s0;
	s0 =	simm.s32 @!p2 $0x0  }
0x16: {  	s3 =	sld [smem:$0x3FDB];
	s0 =	simm.s32 @p2 $0x1  }
0x17: {  	s4 =	simm.s32 $0x1BF5;
	[smem:$0x3FBB] =	sst s0  }
0x18: {  	s0 =	sld [smem:$0x3F9E];
	_ =	swait.ge [sflag:s4], $0x0  }
0x19: {  	s7 =	sld [smem:$0x3F9F]  }
0x1a: {  	s8 =	sadd.s32 $0xFFFFE003, lr  }
0x1b: {  	s9 =	sadd.s32 $0xFFFFFEF7, lr;
	s5 =	simm.s32 $0xFFFFFFFF;
	p2 =	slt.u32 s8, $0xFFFFF086  }
0x1c: {  	p1 =	slt.u32 s9, $0xF7A;
	s5 =	simm.s32 @!p2 $0x0  }
0x1d: {  	s5 =	simm.s32 @p1 $0x1;
	p0 =	seq.s32 s7, s2  }
0x1e: {  	s7 =	smul.u32 @!p0 $0xF7A, s2;
	p2 =	seq.s32 @!p0 s5, $0x0  }
0x1f: {  	s9 =	smul.u32 $0xF7A, s1;
	s8 =	simm.s32 @!p0 $0x1BF5;
	p2 =	por !p2, p0  }
0x20: {  	[sflag:s8] =	ssyncset.s32 @!p0 $0xFFFFF086;
	s6 =	sadd.s32 @!p0 s3, s7;
	s7 =	simm.s32 @!p0 $0x108  }
0x21: {  	s3 =	sadd.s32 s3, s9;
	s6 =	sadd.s32 @!p0 $0x88, s6;
	s7 =	simm.s32 @p2 $0x1082  }
0x22: {  	[simem:s7], [sflag:s8] =	dma.local @!p0 [hbm:s6], $0xF7A  }
0x23: {  	s9 =	sor.u32 $0xD0000000, s2;
	s6 =	simm.s32 $0x108;
	_ =	swait.ge @!p0 [sflag:s8], $0x0  }
0x24: {  	s3 =	sadd.s32 $0x88, s3;
	s6 =	simm.s32 @!p1 $0x1082;
	[sflag:s4] =	ssyncset.s32 $0xFFFFF086  }
0x25: {  	[simem:s6], [sflag:s4] =	dma.local [hbm:s3], $0xF7A  }
0x26: {  	[smem:$0x3F9F] =	sst s1;
	(tag) =	ssettag s2;
	_ =	strace s9  }
0x27: {  	s1 =	sld [smem:$0x3FAF]  }
0x28: {  	s2 =	sld [smem:$0x3FB0]  }
0x29: {  	s4 =	sld [smem:$0x3FB2]  }
0x2a: {  	p0 =	seq.s32 s5, $0x0;
	s5 =	sld [smem:$0x3FB3]  }
0x2b: {  	s6 =	sld [smem:$0x3FB4]  }
0x2c: {  	s7 =	sld [smem:$0x3FB5]  }
0x2d: {  	s3 =	simm.s32 $0x108;
	s8 =	sld [smem:$0x3FB6]  }
0x2e: {  	s3 =	simm.s32 @!p0 $0x1082;
	s9 =	sld [smem:$0x3FB7]  }
0x2f: {  	lr =	sadd.s32 s0, s3;
	s0 =	sld [smem:$0x3FAE]  }
0x30: {  	s3 =	sld [smem:$0x3FB1]  }
0x31: {  	[smem:$0x3FBA] =	sst s10  }
0x32: {  	s10 =	sld [smem:$0x3FB8];
	_ =	sdelay $0x3  }
0x33: {  	p0 =	seq.s32 s10, $0x1;
	s10 =	sld [smem:$0x3FBA];
	_ =	sdelay $0x3  }
0x34: {  	[smem:$0x3FBA] =	sst s10  }
0x35: {  	s10 =	sld [smem:$0x3FB9];
	_ =	sdelay $0x3  }
0x36: {  	p1 =	seq.s32 s10, $0x1;
	s10 =	sld [smem:$0x3FBA];
	_ =	sdelay $0x3  }
0x37: {  	[smem:$0x3FBA] =	sst s10  }
0x38: {  	s10 =	sld [smem:$0x3FBB]  }
0x39: {  	_ = 	snop;
	(pc) =	sbr.ind lr, $3  }
0x3a: {  	_ = 	snop  }
0x3b: {  	_ = 	snop  }
0x3c: {  	p2 =	seq.s32 s10, $0x1;
	s10 =	sld [smem:$0x3FBA]  }
0x3d: {  	_ =	shalt  }
0x3e: {  	_ =	shalt  }
0x3f: {  	_ =	shalt  }
0x40: {  	_ =	shalt  }
0x41: {  	_ =	shalt  }
0x42: {  	_ =	shalt  }
0x43: {  	_ =	shalt  }
0x44: {  	_ =	shalt  }
0x45: {  	_ =	shalt  }
0x46: {  	_ =	shalt  }
0x47: {  	_ =	shalt  }
0x48: {  	_ =	shalt  }
0x49: {  	_ =	shalt  }
0x4a: {  	_ =	shalt  }
0x4b: {  	_ =	shalt  }
0x4c: {  	_ =	shalt  }
0x4d: {  	_ =	shalt  }
0x4e: {  	_ =	shalt  }
0x4f: {  	_ =	shalt  }
0x50: {  	_ =	shalt  }
0x51: {  	_ =	shalt  }
0x52: {  	_ =	shalt  }
0x53: {  	_ =	shalt  }
0x54: {  	_ =	shalt  }
0x55: {  	_ =	shalt  }
0x56: {  	_ =	shalt  }
0x57: {  	_ =	shalt  }
0x58: {  	_ =	shalt  }
0x59: {  	_ =	shalt  }
0x5a: {  	_ =	shalt  }
0x5b: {  	_ =	shalt  }
0x5c: {  	_ =	shalt  }
0x5d: {  	_ =	shalt  }
0x5e: {  	_ =	shalt  }
0x5f: {  	_ =	shalt  }
0x60: {  	_ =	shalt  }
0x61: {  	_ =	shalt  }
0x62: {  	_ =	shalt  }
0x63: {  	_ =	shalt  }
0x64: {  	_ =	shalt  }
0x65: {  	_ =	shalt  }
0x66: {  	_ =	shalt  }
0x67: {  	_ =	shalt  }
0x68: {  	_ =	shalt  }
0x69: {  	_ =	shalt  }
0x6a: {  	_ =	shalt  }
0x6b: {  	_ =	shalt  }
0x6c: {  	_ =	shalt  }
0x6d: {  	_ =	shalt  }
0x6e: {  	_ =	shalt  }
0x6f: {  	_ =	shalt  }
0x70: {  	_ =	shalt  }
0x71: {  	_ =	shalt  }
0x72: {  	_ =	shalt  }
0x73: {  	_ =	shalt  }
0x74: {  	_ =	shalt  }
0x75: {  	_ =	shalt  }
0x76: {  	_ =	shalt  }
0x77: {  	_ =	shalt  }
0x78: {  	_ =	shalt  }
0x79: {  	_ =	shalt  }
0x7a: {  	_ =	shalt  }
0x7b: {  	_ =	shalt  }
0x7c: {  	_ =	shalt  }
0x7d: {  	_ =	shalt  }
0x7e: {  	_ =	shalt  }
0x7f: {  	_ =	shalt  }
0x80: {  	_ =	shalt  }
0x81: {  	_ =	shalt  }
0x82: {  	_ =	shalt  }
0x83: {  	_ =	shalt  }
0x84: {  	_ =	shalt  }
0x85: {  	_ =	shalt  }
0x86: {  	_ =	shalt  }
0x87: {  	_ =	shalt  }
.Lfunc_end0:
.L_simem_size_0:
called_computation_lowered:
.L_overlay_start_0:
0x88: {  	s2 =	sld [smem:$0x3FD9]  }
0x89: {  	s3 =	sld [smem:$0x3FFE];
	_ =	sdelay $0x1  }
0x8a: {  	s1 =	srdreg.scid  }
0x8b: {  	s0 =	sand.u32 $0x1, s1  }
0x8c: {  	s18 =	sshll.u32 s0, $0xA;
	s2 =	sadd.s32 s3, s2  }
0x8d: {  	s2 =	sadd.s32 s2, s18  }
0x8e: {  	[smem:$0x3FC6] =	sst s2  }
0x8f: {  	_ = 	snop  }
0x90: {  	s2 =	sld [smem:$0x3FC9]  }
0x91: {  	s19 =	sld [smem:$0x3FC8]  }
0x92: {  	s4 =	sld [smem:$0x3FD0];
	(tm) =	ssettm $0x1  }
0x93: {  	s5 =	sld [smem:$0x3FFB];
	_ =	sdelay $0x3  }
0x94: {  	_ =	strace s5  }
0x95: {  	s5 =	sld [smem:$0x3FFC];
	_ =	sdelay $0x3  }
0x96: {  	_ =	strace s5  }
0x97: {  	s5 =	sld [smem:$0x3FFD];
	_ =	sdelay $0x3  }
0x98: {  	_ =	strace s5  }
0x99: {  	_ =	strace $0x8FFFFFFF  }
0x9a: {  	s20 =	sld [smem:$0x3FDB];
	_ =	sdelay $0x1  }
0x9b: {  	s6 =	simm.s32 $_scs_section_size  }
0x9c: {  	s7 =	simm.s32 $_size__tile_overlayer_lowered;
	s8 =	simm.s32 $_tile_overlayer_lowered  }
0x9d: {  	s23 =	simm.s32 $0x1BFF;
	s22 =	sshll.u32 s8, $0x1;
	s5 =	sadd.s32 s6, s20  }
0x9e: {  	s9 =	simm.s32 $0x0;
	s21 =	sshll.u32 s7, $0x1;
	s7 =	sadd.s32 s22, s5  }
0x9f: {  	[timem:s9], [sflag:s23] =	dma.local [hbm:s7], s21  }
0xa0: {  	_ =	swait.ge [sflag:s23], s21  }
0xa1: {  	s6 =	ssub.s32 $0x0, s21;
	[sflag:s23] =	ssyncset.done $0x0  }
0xa2: {  	[sflag:s23] =	ssyncadd.s32 s6;
	_ =	sdelay $0x1  }
0xa3: {  	s24 =	simm.s32 $0x1B8B  }
0xa4: {  	_ =	swait.ge [sflag:s24], $0x1  }
0xa5: {  	[sflag:s24] =	ssyncset.done $0x0  }
0xa6: {  	s25 =	simm.s32 $0x1B8E;
	[sflag:s24] =	ssyncadd.s32 $0xFFFFFFFF  }
0xa7: {  	s26 =	simm.s32 $execute0_lowered;
	[smem:$0x3FD2] =	sst s25  }
0xa8: {  	s6 =	sshll.u32 s26, $0x1;
	_ =	strace $0x80000046;
	[dreg:$0x1] =	wrdreg $0xFFFFFFFF  }
0xa9: {  	s28 =	simm.s32 $_size_execute0_lowered;
	s5 =	sadd.s32 s5, s6;
	[dreg:$0x0] =	wrdreg $0x0  }
0xaa: {  	s6 =	sshll.u32 s28, $0x1;
	[dreg:$0x2] =	wrdreg s5  }
0xab: {  	[dreg:$0x3] =	wrdreg s6  }
0xac: {  	[dreg:$0x4] =	wrdreg $0xC0  }
0xad: {  	_ =	task [dreg:s9], $0x5FFFF  }
0xae: {  	[dreg:$0x1] =	wrdreg $0xFFFFFFFF  }
0xaf: {  	[dreg:$0x0] =	wrdreg $0x60  }
0xb0: {  	[dreg:$0x2] =	wrdreg s2  }
0xb1: {  	[dreg:$0x3] =	wrdreg s19  }
0xb2: {  	[dreg:$0x4] =	wrdreg s4  }
0xb3: {  	[dreg:$0x5] =	wrdreg $0x8C800  }
0xb4: {  	[dreg:$0x6] =	wrdreg $0x9  }
0xb5: {  	_ =	task.clear_ibuf [dreg:s9], $0x7FFFF;
	_ =	strace $0x90000046  }
0xb6: {  	s29 =	simm.s32 $0x9;
	_ =	strace $0x80000048  }
0xb7: {  	_ =	swait.ge [sflag:s29], $0x1  }
0xb8: {  	[sflag:s29] =	ssyncadd.s32 $0xFFFFFFFF  }
0xb9: {  	_ =	strace $0x90000048  }
0xba: {  	_ =	sfence  }
0xbb: {  	s30 =	sld [smem:$0x0];
	_ =	sdelay $0x2  }
0xbc: {  	s31 =	sshll.u32 s1, $0xD;
	s1 =	sshrl.u32 s1, $0x2  }
0xbd: {  	s3 =	sand.u32 $0x4000, s31;
	s1 =	sadd.s32 s1, s30  }
0xbe: {  	s0 =	sor.u32 s3, s0;
	s1 =	sshll.u32 s1, $0x11  }
0xbf: {  	s0 =	sor.u32 s1, s0  }
0xc0: {  	s0 =	sadd.s32 $0x8F2B, s0  }
0xc1: {  	[sflag:s0] =	ssyncadd.remote.s32 $0x1  }
0xc2: {  	_ =	sfence.sel $0xFFFF  }
0xc3: {  	[dreg:$0x0] =	wrdreg $0xFFFFFFFF;
	(pc) =	sbr.abs _section_cstart, $3  }
0xc4: {  	[dreg:$0x1] =	wrdreg $0xFFFFFFFF  }
0xc5: {  	_ =	task.clear_ibuf [dreg:s9], $0x2FFFF;
	_ =	strace $0x9FFFFFFF  }
0xc6: {  	(tm) =	ssettm $0x7FFFFFFF  }
0xc7: {  	_ =	shalt  }
tec
execute0_lowered:
.L_overlay_start_1:
0x0: {  	(tag) =	ssettag $0x1  }
0x1: {  	s1 =	rddreg [dreg:$0x0]  }
0x2: {  	s5 =	rddreg [dreg:$0x1]  }
0x3: {  	s10 =	rddreg [dreg:$0x2];
	s0 =	srdreg.scid  }
0x4: {  	s2 =	stileid.u32;
	s15 =	rddreg [dreg:$0x3];
	s3 =	simm.s32 $0x0  }
0x5: {  	s9 =	sand.u32 $0x1, s0;
	s4 =	sshll.u32 s2, $0x1;
	[smem:$0x7FF] =	sst s3  }
0x6: {  	s11 =	smul.u32 $0x30, s2;
	p0 =	slt.u32 s2, $0x7;
	s24 =	sshll.u32 s2, $0x4  }
0x7: {  	s28 =	smul.u32 $0x1800, s2;
	p1 =	sgt.u32 s2, $0x6;
	s0 =	sor.u32 s9, s4  }
0x8: {  	_ =	strace $0x80000047;
	s7 =	ssub.s32 $0x2, s9;
	s26 =	smul.u32 $0x18, s9  }
0x9: {  	s13 =	smin.u32 s4, $0xE;
	s9 =	sadd.s32 $0x18100, s10;
	s6 =	smul.u32 $0x18, s0  }
0xa: {  	s8 =	sshrl.u32 s7, $0x1;
	s12 =	smin.u32 s0, $0xE;
	s19 =	sor.u32 s11, s13  }
0xb: {  	s25 =	sadd.s32 $0xFFFFFFF2, s0;
	s13 =	sshll.u32 s13, $0x7;
	s14 =	ssub.s32 s7, s8  }
0xc: {  	s7 =	simm.s32 $0x6400;
	s11 =	sor.u32 s11, s12;
	s18 =	sadd.s32 s12, s6  }
0xd: {  	s6 =	sshll.u32 s19, $0x7;
	s7 =	simm.s32 @!p0 $0x6000;
	s12 =	sor.u32 s13, s28  }
0xe: {  	s19 =	simm.s32 $0x4;
	p0 =	sgt.u32 s25, $0x10;
	s20 =	sshll.u32 s18, $0x7  }
0xf: {  	s21 =	smin.u32 s6, $0x16DA0;
	[dreg:$0x5] =	wrdreg s7;
	s6 =	sadd.s32 s24, s15  }
0x10: {  	s15 =	sadd.s32 s26, s11;
	s11 =	smax.u32 s14, $0x1;
	s12 =	smin.u32 s12, $0x16DA0  }
0x11: {  	p2 =	sne.s32 @p0 s0, $0x1F;
	s24 =	simm.s32 $0x0;
	s22 =	smin.u32 s20, $0x17A20  }
0x12: {  	s4 =	sshrl.u32 s21, $0x3;
	s7 =	sadd.s32 s10, s20;
	s10 =	sadd.s32 $0x18680, s10  }
0x13: {  	s29 =	sshll.u32 s15, $0x7;
	s30 =	sshll.u32 s15, $0x9;
	s16 =	sshll.u32 s12, $0x2  }
0x14: {  	s20 =	simm.s32 $0x8B80;
	s21 =	simm.s32 $0x2;
	p2 =	por p2, !p0  }
0x15: {  	s4 =	sadd.s32 s1, s4;
	s23 =	sshrl.u32 s22, $0x3;
	s8 =	sadd.s32 $0x600, s7  }
0x16: {  	s13 =	smin.u32 s29, $0x17A20;
	s15 =	sor.u32 $0x80, s30;
	s14 =	sadd.s32 $0x18C0, s30  }
0x17: {  	s22 =	simm.s32 $0x2700;
	s5 =	sadd.s32 s5, s23;
	s13 =	sshll.u32 s13, $0x2  }
0x18: {  	s12 =	ssub.s32 s15, s16;
	s23 =	simm.s32 $0x3;
	s15 =	ssub.s32 s15, s13  }
0x19: {  	s12 =	sshra.s32 s12, $0x2;
	s17 =	ssub.s32 s14, s13;
	s14 =	ssub.s32 s14, s16  }
0x1a: {  	s15 =	sshra.s32 s15, $0x2;
	s31 =	sshra.s32 s17, $0x2;
	s14 =	sshra.s32 s14, $0x2  }
0x1b: {  	v0 =	vimm.f32 $0.0e+00;
	v1 =	vlaneseq.u32;
	s17 =	simm.s32 $0x1;
	s13 =	sadd.s32 $0x1980, s15;
	s15 =	sadd.s32 $0x1980, s31  }
.LBB2_1:
0x1c: {  	[tilespmem:s3], [sflag:$0x1] =	stream.linear.gather [hbm4b:s4+s3], $0x1900, $0x38;
	[tilespmem:$0x8C90] =	vst v63  }
0x1d: {  	s0 =	simm.s32 $0x1980  }
0x1e: {  	[tilespmem:s0], [sflag:$0x2] =	stream.linear.gather [hbm4b:s5+s3], $0xC80, $0x38;
	[tilespmem:$0x8C90] =	vst v63  }
0x1f: {  	_ =	swait.ge [sflag:s17], $0x1900  }
0x20: {  	[sflag:s17] =	ssyncset.done $0x0  }
0x21: {  	s31 =	simm.s32 $0x0;
	[sflag:s17] =	ssyncadd.s32 $0xFFFFE700  }
0x22: {  	v4 =	vld [tilespmem:s31+$0x0];
	_ =	sdelay $0x1  }
0x23: {  	v2 =	vld [tilespmem:s31+$0x10];
	_ =	sdelay $0x1  }
0x24: {  	v5 =	vimm.s32 $0x7FFFFFFF;
	v3 =	vld [tilespmem:s31+$0x20]  }
0x25: {  	vm0 =	vlt.s32 v5, v4  }
0x26: {  	v5 =	vsel vm0, v5, v4;
	v4 =	vld [tilespmem:s31+$0x30]  }
0x27: {  	s1 =	simm.s32 $0x200;
	s0 =	simm.s32 $0x40;
	vm0 =	vlt.s32 v5, v2  }
.LBB2_2:
0x28: {  	p3 =	sne.s32 s1, $0x6300;
	v6 =	vld [tilespmem:s0+$0x0];
	v5 =	vsel vm0, v5, v2  }
0x29: {  	vm0 =	vlt.s32 v5, v3  }
0x2a: {  	v2 =	vld [tilespmem:s0+$0x10];
	v5 =	vsel vm0, v5, v3  }
.Ltmp0:
0x2b: {  	vm0 =	vlt.s32 v5, v4;
	(pc) =	sbr.rel @p3 .LBB2_2-.Ltmp0, $4  }
0x2c: {  	v3 =	vld [tilespmem:s0+$0x20];
	v4 =	vsel vm0, v5, v4  }
0x2d: {  	vm0 =	vlt.s32 v4, v6  }
0x2e: {  	v5 =	vsel vm0, v4, v6;
	v4 =	vld [tilespmem:s0+$0x30]  }
0x2f: {  	s0 =	sshra.s32 s1, $0x2;
	s1 =	sadd.s32 $0x100, s1;
	vm0 =	vlt.s32 v5, v2  }
0x30: {  	v6 =	vld [tilespmem:s0+$0x0];
	v2 =	vsel vm0, v5, v2  }
0x31: {  	vm0 =	vlt.s32 v2, v3  }
0x32: {  	v52 =	vld [tilespmem:s0+$0x10];
	v2 =	vsel vm0, v2, v3  }
0x33: {  	vm0 =	vlt.s32 v2, v4  }
0x34: {  	v3 =	vld [tilespmem:s0+$0x20];
	v2 =	vsel vm0, v2, v4  }
0x35: {  	vm0 =	vlt.s32 v2, v6  }
0x36: {  	v53 =	vld [tilespmem:s0+$0x30];
	v2 =	vsel vm0, v2, v6  }
0x37: {  	vm0 =	vlt.s32 v2, v52  }
0x38: {  	v2 =	vsel vm0, v2, v52  }
0x39: {  	vm0 =	vlt.s32 v2, v3  }
0x3a: {  	v2 =	vsel vm0, v2, v3  }
0x3b: {  	vm0 =	vlt.s32 v2, v53  }
0x3c: {  	v2 =	vsel vm0, v2, v53  }
0x3d: {  	s25 =	simm.s32 $0x8B00;
	[tilespmem:$0x8B00] =	vst v2  }
0x3e: {  	[spmem:s6] =	stream.linear.scatter [tilespmem:s25], [sflag:$0x4], $0x10, $0x38;
	[tilespmem:$0x8C90] =	vst v63  }
0x3f: {  	_ =	swait.ge [sflag:s19], $0x10  }
0x40: {  	[sflag:s19] =	ssyncset.done $0x0  }
0x41: {  	[sflag:s19] =	ssyncadd.s32 $0xFFFFFFF0  }
0x42: {  	[bflag:$0x0] =	sbarrier.arrive $0xFFFF  }
0x43: {  	s26 =	rddreg [dreg:$0x3]  }
0x44: {  	[tilespmem:s20], [sflag:$0x4] =	stream.linear.gather [spmem:s26], $0x100, $0x38;
	[tilespmem:$0x8C90] =	vst v63  }
0x45: {  	_ =	swait.ge [sflag:s19], $0x100  }
0x46: {  	[sflag:s19] =	ssyncset.done $0x0  }
0x47: {  	[sflag:s19] =	ssyncadd.s32 $0xFFFFFF00  }
0x48: {  	v2 =	vld [tilespmem:$0x8B80]  }
0x49: {  	v3 =	vld [tilespmem:$0x8B90];
	_ =	sdelay $0x1  }
0x4a: {  	v54 =	vld [tilespmem:$0x8BA0];
	_ =	sdelay $0x1  }
0x4b: {  	v55 =	vld [tilespmem:$0x8BB0]  }
0x4c: {  	vm15 =	vlt.s32 v2, v3  }
0x4d: {  	v2 =	vsel vm15, v2, v3;
	v3 =	vld [tilespmem:$0x8BC0]  }
0x4e: {  	vm0 =	vlt.s32 v2, v54  }
0x4f: {  	v56 =	vld [tilespmem:$0x8BD0];
	v2 =	vsel vm0, v2, v54  }
0x50: {  	vm0 =	vlt.s32 v2, v55  }
0x51: {  	v57 =	vld [tilespmem:$0x8BE0];
	v2 =	vsel vm0, v2, v55  }
0x52: {  	vm0 =	vlt.s32 v2, v3  }
0x53: {  	v2 =	vsel vm0, v2, v3;
	v3 =	vld [tilespmem:$0x8BF0]  }
0x54: {  	vm0 =	vlt.s32 v2, v56  }
0x55: {  	v58 =	vld [tilespmem:$0x8C00];
	v2 =	vsel vm0, v2, v56  }
0x56: {  	vm0 =	vlt.s32 v2, v57  }
0x57: {  	v59 =	vld [tilespmem:$0x8C10];
	v2 =	vsel vm0, v2, v57  }
0x58: {  	vm0 =	vlt.s32 v2, v3  }
0x59: {  	v2 =	vsel vm0, v2, v3;
	v3 =	vld [tilespmem:$0x8C20]  }
0x5a: {  	vm0 =	vlt.s32 v2, v58  }
0x5b: {  	v60 =	vld [tilespmem:$0x8C30];
	v2 =	vsel vm0, v2, v58  }
0x5c: {  	vm0 =	vlt.s32 v2, v59  }
0x5d: {  	v61 =	vld [tilespmem:$0x8C40];
	v2 =	vsel vm0, v2, v59  }
0x5e: {  	vm0 =	vlt.s32 v2, v3  }
0x5f: {  	v2 =	vsel vm0, v2, v3;
	v3 =	vld [tilespmem:$0x8C50]  }
0x60: {  	vm0 =	vlt.s32 v2, v60  }
0x61: {  	v62 =	vld [tilespmem:$0x8C60];
	v2 =	vsel vm0, v2, v60  }
0x62: {  	vm0 =	vlt.s32 v2, v61  }
0x63: {  	v63 =	vld [tilespmem:$0x8C70];
	v2 =	vsel vm0, v2, v61  }
0x64: {  	vm0 =	vlt.s32 v2, v3  }
0x65: {  	v2 =	vsel vm0, v2, v3  }
0x66: {  	vm0 =	vlt.s32 v2, v62  }
0x67: {  	v2 =	vsel vm0, v2, v62  }
0x68: {  	vm0 =	vlt.s32 v2, v63  }
0x69: {  	v2 =	vsel vm0, v2, v63  }
0x6a: {  	(v2sf) =	vpush v2, $0x0  }
0x6b: {  	(v2sf) =	vpush v2, $0x1;
	_ =	sdelay $0x1  }
0x6c: {  	(v2sf) =	vpush v2, $0x2;
	_ =	sdelay $0x1  }
0x6d: {  	(v2sf) =	vpush v2, $0x3;
	_ =	sdelay $0x1  }
0x6e: {  	(v2sf) =	vpush v2, $0x4;
	_ =	sdelay $0x1  }
0x6f: {  	(v2sf) =	vpush v2, $0x5;
	_ =	sdelay $0x1  }
0x70: {  	(v2sf) =	vpush v2, $0x6;
	_ =	sdelay $0x1  }
0x71: {  	(v2sf) =	vpush v2, $0x7;
	_ =	sdelay $0x1  }
0x72: {  	s0 =	spop (v2sf);
	(v2sf) =	vpush v2, $0x8  }
0x73: {  	s1 =	spop (v2sf)  }
0x74: {  	(v2sf) =	vpush v2, $0x9;
	p3 =	slt.s32 s0, s1  }
0x75: {  	s1 =	smov.u32 @p3 s0;
	s0 =	spop (v2sf)  }
0x76: {  	(v2sf) =	vpush v2, $0xA;
	p3 =	slt.s32 s1, s0  }
0x77: {  	s0 =	smov.u32 @p3 s1;
	s1 =	spop (v2sf)  }
0x78: {  	(v2sf) =	vpush v2, $0xB;
	p3 =	slt.s32 s0, s1  }
0x79: {  	s1 =	smov.u32 @p3 s0;
	s0 =	spop (v2sf)  }
0x7a: {  	(v2sf) =	vpush v2, $0xC;
	p3 =	slt.s32 s1, s0  }
0x7b: {  	s0 =	smov.u32 @p3 s1;
	s1 =	spop (v2sf)  }
0x7c: {  	(v2sf) =	vpush v2, $0xD;
	p3 =	slt.s32 s0, s1  }
0x7d: {  	s1 =	smov.u32 @p3 s0;
	s0 =	spop (v2sf)  }
0x7e: {  	(v2sf) =	vpush v2, $0xE;
	p3 =	slt.s32 s1, s0  }
0x7f: {  	s0 =	smov.u32 @p3 s1;
	s1 =	spop (v2sf)  }
0x80: {  	(v2sf) =	vpush v2, $0xF;
	p3 =	slt.s32 s0, s1  }
0x81: {  	s25 =	spop (v2sf);
	s1 =	smov.u32 @p3 s0  }
0x82: {  	p3 =	slt.s32 s1, s25  }
0x83: {  	s0 =	spop (v2sf);
	s25 =	smov.u32 @p3 s1  }
0x84: {  	p3 =	slt.s32 s25, s0  }
0x85: {  	s1 =	spop (v2sf);
	s0 =	smov.u32 @p3 s25  }
0x86: {  	p3 =	slt.s32 s0, s1  }
0x87: {  	s25 =	spop (v2sf);
	s1 =	smov.u32 @p3 s0  }
0x88: {  	p3 =	slt.s32 s1, s25  }
0x89: {  	s0 =	spop (v2sf);
	s25 =	smov.u32 @p3 s1  }
0x8a: {  	p3 =	slt.s32 s25, s0  }
0x8b: {  	s1 =	spop (v2sf);
	s0 =	smov.u32 @p3 s25  }
0x8c: {  	p3 =	slt.s32 s0, s1  }
0x8d: {  	s25 =	spop (v2sf);
	s1 =	smov.u32 @p3 s0  }
0x8e: {  	s28 =	smov.u32 s12;
	s29 =	simm.s32 $0x0;
	p3 =	slt.s32 s1, s25  }
0x8f: {  	s30 =	simm.s32 $0x0;
	s0 =	spop (v2sf);
	s25 =	smov.u32 @p3 s1  }
0x90: {  	s31 =	simm.s32 $0x0;
	_ =	swait.ge [sflag:s21], $0xC80;
	p3 =	slt.s32 s25, s0  }
0x91: {  	s26 =	smov.u32 s13;
	[sflag:s21] =	ssyncset.done $0x0;
	s0 =	smov.u32 @p3 s25  }
0x92: {  	[sflag:s21] =	ssyncadd.s32 $0xFFFFF380;
	s25 =	simm.s32 $0x0;
	p3 =	por $0x0, $0x0;
	v2 =	vmov s0  }
.LBB2_4:
0x93: {  	v3 =	vld [tilespmem:s28+$0xFFFFFFE0];
	_ =	sdelay $0x4  }
0x94: {  	s0 =	sand.u32 $0x3C00, s31;
	v3 =	vsub.s32 v3, v2  }
0x95: {  	s2 =	sand.u32 $0x40, s25;
	s1 =	sadd.s32 $0x2700, s0;
	vm0 =	vgt.s32 v3, $0x0  }
0x96: {  	v5 =	vmov s25;
	s0 =	simm.s32 $0x1;
	s2 =	sor.u32 s2, s1;
	v3 =	vnsel vm0, $0x0, v3  }
0x97: {  	v4 =	vld [tilespmem:s26+$0xFFFFFFE0];
	v5 =	vshll.u32 v5, $0x3;
	s0 =	simm.s32 @!p3 $0x0;
	[tilespmem:s2+$0x0] =	vst v0;
	v3 =	vmin.u32 v3, $0x7  }
0x98: {  	v6 =	vor.u32 s25, v1;
	v5 =	vand.u32 $0x3C00, v5;
	s0 =	sshll.u32 s0, $0x6;
	[tilespmem:s2+$0x80] =	vst v0;
	v3 =	vshll.u32 v3, $0x7  }
0x99: {  	v6 =	vand.u32 $0x4F, v6;
	[tilespmem:s2+$0x100] =	vst v0;
	s0 =	sadd.s32 s0, s31;
	v3 =	vor.u32 v5, v3  }
0x9a: {  	[tilespmem:s2+$0x180] =	vst v0;
	s16 =	sor.u32 $0x200, s0;
	v3 =	vor.u32 v6, v3  }
0x9b: {  	s18 =	sor.u32 $0x280, s0;
	[tilespmem:s16+$0x2700] =	vst v0  }
0x9c: {  	s16 =	sor.u32 $0x300, s0;
	[tilespmem:s18+$0x2700] =	vst v0  }
0x9d: {  	s0 =	sor.u32 $0x380, s0;
	[tilespmem:s16+$0x2700] =	vst v0  }
0x9e: {  	[tilespmem:s0+$0x2700] =	vst v0  }
0x9f: {  	[tilespmem:v3+s22+$0x0] =	vst.idx.msk $0xffff, v4  }
0xa0: {  	v3 =	vld [tilespmem:s28+$0xFFFFFFF0];
	_ =	sdelay $0x4  }
0xa1: {  	s2 =	sadd.s32 $0x10, s25;
	v3 =	vsub.s32 v3, v2  }
0xa2: {  	s18 =	sand.u32 $0x50, s2;
	vm13 =	vgt.s32 v3, $0x0  }
0xa3: {  	v58 =	vmov s2;
	s16 =	sand.u32 $0x7, s30;
	s18 =	sor.u32 s18, s1;
	v3 =	vnsel vm13, $0x0, v3  }
0xa4: {  	s16 =	sshll.u32 s16, $0x4;
	v5 =	vshll.u32 v58, $0x3;
	v4 =	vld [tilespmem:s26+$0xFFFFFFF0];
	[tilespmem:s18+$0x0] =	vst v0;
	v3 =	vmin.u32 v3, $0x7  }
0xa5: {  	v59 =	vor.u32 s2, v1;
	s0 =	sadd.s32 s31, s16;
	v5 =	vand.u32 $0x3C00, v5;
	[tilespmem:s18+$0x80] =	vst v0;
	v3 =	vshll.u32 v3, $0x7  }
0xa6: {  	s2 =	sadd.s32 $0x10, s0;
	v6 =	vand.u32 $0x5F, v59;
	[tilespmem:s18+$0x100] =	vst v0;
	v3 =	vor.u32 v5, v3  }
0xa7: {  	[tilespmem:s18+$0x180] =	vst v0;
	s18 =	sor.u32 $0x200, s2;
	v3 =	vor.u32 v6, v3  }
0xa8: {  	[tilespmem:s18+$0x2700] =	vst v0;
	s18 =	sor.u32 $0x280, s2  }
0xa9: {  	[tilespmem:s18+$0x2700] =	vst v0;
	s18 =	sor.u32 $0x300, s2  }
0xaa: {  	s2 =	sor.u32 $0x380, s2;
	[tilespmem:s18+$0x2700] =	vst v0  }
0xab: {  	[tilespmem:s2+$0x2700] =	vst v0  }
0xac: {  	[tilespmem:v3+s22+$0x0] =	vst.idx.msk $0xffff, v4  }
0xad: {  	v3 =	vld [tilespmem:s28+$0x0];
	_ =	sdelay $0x4  }
0xae: {  	s2 =	sadd.s32 $0x20, s25;
	v3 =	vsub.s32 v3, v2  }
0xaf: {  	s16 =	sand.u32 $0x60, s2;
	vm14 =	vgt.s32 v3, $0x0  }
0xb0: {  	s18 =	sand.u32 $0x3, s29;
	v60 =	vmov s2;
	s16 =	sor.u32 s16, s1;
	v3 =	vnsel vm14, $0x0, v3  }
0xb1: {  	s18 =	sshll.u32 s18, $0x5;
	v5 =	vshll.u32 v60, $0x3;
	v4 =	vld [tilespmem:s26+$0x0];
	[tilespmem:s16+$0x0] =	vst v0;
	v3 =	vmin.u32 v3, $0x7  }
0xb2: {  	s18 =	sadd.s32 s31, s18;
	v61 =	vor.u32 s2, v1;
	v5 =	vand.u32 $0x3C00, v5;
	[tilespmem:s16+$0x80] =	vst v0;
	v3 =	vshll.u32 v3, $0x7  }
0xb3: {  	s2 =	sadd.s32 $0x20, s18;
	v6 =	vand.u32 $0x6F, v61;
	[tilespmem:s16+$0x100] =	vst v0;
	v3 =	vor.u32 v5, v3  }
0xb4: {  	s18 =	sor.u32 $0x200, s2;
	[tilespmem:s16+$0x180] =	vst v0;
	v3 =	vor.u32 v6, v3  }
0xb5: {  	[tilespmem:s18+$0x2700] =	vst v0;
	s18 =	sor.u32 $0x280, s2  }
0xb6: {  	[tilespmem:s18+$0x2700] =	vst v0;
	s18 =	sor.u32 $0x300, s2  }
0xb7: {  	s2 =	sor.u32 $0x380, s2;
	[tilespmem:s18+$0x2700] =	vst v0  }
0xb8: {  	[tilespmem:s2+$0x2700] =	vst v0  }
0xb9: {  	[tilespmem:v3+s22+$0x0] =	vst.idx.msk $0xffff, v4  }
0xba: {  	v3 =	vld [tilespmem:s28+$0x10];
	_ =	sdelay $0x4  }
0xbb: {  	s2 =	sadd.s32 $0x30, s25;
	v3 =	vsub.s32 v3, v2  }
0xbc: {  	s18 =	sand.u32 $0x70, s2;
	vm15 =	vgt.s32 v3, $0x0  }
0xbd: {  	v62 =	vmov s2;
	s1 =	sor.u32 s18, s1;
	v3 =	vnsel vm15, $0x0, v3  }
0xbe: {  	v5 =	vshll.u32 v62, $0x3;
	v4 =	vld [tilespmem:s26+$0x10];
	[tilespmem:s1+$0x0] =	vst v0;
	v3 =	vmin.u32 v3, $0x7  }
0xbf: {  	v63 =	vor.u32 s2, v1;
	v5 =	vand.u32 $0x3C00, v5;
	[tilespmem:s1+$0x80] =	vst v0;
	v3 =	vshll.u32 v3, $0x7  }
0xc0: {  	s0 =	sadd.s32 $0x30, s0;
	v6 =	vand.u32 $0x7F, v63;
	[tilespmem:s1+$0x100] =	vst v0;
	v3 =	vor.u32 v5, v3  }
0xc1: {  	p4 =	sne.s32 s31, $0x2E00;
	s2 =	sor.u32 $0x200, s0;
	[tilespmem:s1+$0x180] =	vst v0;
	v3 =	vor.u32 v6, v3  }
.Ltmp1:
0xc2: {  	s16 =	sor.u32 $0x280, s0;
	[tilespmem:s2+$0x2700] =	vst v0;
	(pc) =	sbr.rel @p4 .LBB2_4-.Ltmp1, $4  }
0xc3: {  	s18 =	sor.u32 $0x300, s0;
	[tilespmem:s16+$0x2700] =	vst v0  }
0xc4: {  	p3 =	por !p3, !p3;
	s0 =	sor.u32 $0x380, s0;
	[tilespmem:s18+$0x2700] =	vst v0  }
0xc5: {  	s30 =	sadd.s32 $0x4, s30;
	s29 =	sadd.s32 $0x2, s29;
	s31 =	sadd.s32 $0x200, s31;
	[tilespmem:s0+$0x2700] =	vst v0  }
0xc6: {  	s25 =	sadd.s32 $0x40, s25;
	s28 =	sadd.s32 $0x40, s28;
	s26 =	sadd.s32 $0x40, s26;
	[tilespmem:v3+s22+$0x0] =	vst.idx.msk $0xffff, v4  }
0xc7: {  	s25 =	simm.s32 $0x0  }
0xc8: {  	s26 =	simm.s32 $0x3000;
	p3 =	por $0x0, $0x0;
	s28 =	simm.s32 $0x630  }
0xc9: {  	s29 =	smov.u32 s15;
	s30 =	smov.u32 s14;
	s31 =	simm.s32 $0x0  }
0xca: {  	[hbm4b:s7+s25] =	stream.linear.scatter [tilespmem:s22], [sflag:$0x3], $0x3000, $0x38;
	[tilespmem:$0x8C90] =	vst v63  }
.LBB2_6:
0xcb: {  	v3 =	vld [tilespmem:s30+$0xFFFFFFD0];
	_ =	sdelay $0x4  }
0xcc: {  	s0 =	sadd.s32 $0xFFFFFFD0, s28;
	s1 =	sand.u32 $0xFFFFFC00, s26;
	v3 =	vsub.s32 v3, v2  }
0xcd: {  	s2 =	sand.u32 $0x40, s0;
	s1 =	sadd.s32 $0x2700, s1;
	vm0 =	vgt.s32 v3, $0x0  }
0xce: {  	s16 =	simm.s32 $0x1;
	v5 =	vmov s0;
	s2 =	sor.u32 s2, s1;
	v3 =	vnsel vm0, $0x0, v3  }
0xcf: {  	v4 =	vld [tilespmem:s29+$0xFFFFFFD0];
	s16 =	simm.s32 @!p3 $0x0;
	v5 =	vshll.u32 v5, $0x3;
	[tilespmem:s2+$0x0] =	vst v0;
	v3 =	vmin.u32 v3, $0x7  }
0xd0: {  	v6 =	vor.u32 s0, v1;
	s16 =	sshll.u32 s16, $0x6;
	[tilespmem:s2+$0x80] =	vst v0;
	v5 =	vand.u32 $0xFFFFFC00, v5;
	v3 =	vshll.u32 v3, $0x7  }
0xd1: {  	v6 =	vand.u32 $0x4F, v6;
	s0 =	sadd.s32 s26, s16;
	[tilespmem:s2+$0x100] =	vst v0;
	v3 =	vor.u32 v5, v3  }
0xd2: {  	[tilespmem:s2+$0x180] =	vst v0;
	s16 =	sor.u32 $0x200, s0;
	v3 =	vor.u32 v6, v3  }
0xd3: {  	s18 =	sor.u32 $0x280, s0;
	[tilespmem:s16+$0x2700] =	vst v0  }
0xd4: {  	s16 =	sor.u32 $0x300, s0;
	[tilespmem:s18+$0x2700] =	vst v0  }
0xd5: {  	s0 =	sor.u32 $0x380, s0;
	[tilespmem:s16+$0x2700] =	vst v0  }
0xd6: {  	[tilespmem:s0+$0x2700] =	vst v0  }
0xd7: {  	[tilespmem:v3+s22+$0x0] =	vst.idx.msk $0xffff, v4  }
0xd8: {  	v3 =	vld [tilespmem:s30+$0xFFFFFFE0];
	_ =	sdelay $0x4  }
0xd9: {  	s2 =	sadd.s32 $0xFFFFFFE0, s28;
	v3 =	vsub.s32 v3, v2  }
0xda: {  	s18 =	sand.u32 $0x50, s2;
	vm13 =	vgt.s32 v3, $0x0  }
0xdb: {  	v58 =	vmov s2;
	s16 =	sand.u32 $0x7, s31;
	s18 =	sor.u32 s18, s1;
	v3 =	vnsel vm13, $0x0, v3  }
0xdc: {  	s16 =	sshll.u32 s16, $0x4;
	v5 =	vshll.u32 v58, $0x3;
	v4 =	vld [tilespmem:s29+$0xFFFFFFE0];
	[tilespmem:s18+$0x0] =	vst v0;
	v3 =	vmin.u32 v3, $0x7  }
0xdd: {  	v59 =	vor.u32 s2, v1;
	s0 =	sadd.s32 s26, s16;
	v5 =	vand.u32 $0xFFFFFC00, v5;
	[tilespmem:s18+$0x80] =	vst v0;
	v3 =	vshll.u32 v3, $0x7  }
0xde: {  	s2 =	sadd.s32 $0x10, s0;
	v6 =	vand.u32 $0x5F, v59;
	[tilespmem:s18+$0x100] =	vst v0;
	v3 =	vor.u32 v5, v3  }
0xdf: {  	[tilespmem:s18+$0x180] =	vst v0;
	s18 =	sor.u32 $0x200, s2;
	v3 =	vor.u32 v6, v3  }
0xe0: {  	[tilespmem:s18+$0x2700] =	vst v0;
	s18 =	sor.u32 $0x280, s2  }
0xe1: {  	[tilespmem:s18+$0x2700] =	vst v0;
	s18 =	sor.u32 $0x300, s2  }
0xe2: {  	s2 =	sor.u32 $0x380, s2;
	[tilespmem:s18+$0x2700] =	vst v0  }
0xe3: {  	[tilespmem:s2+$0x2700] =	vst v0  }
0xe4: {  	[tilespmem:v3+s22+$0x0] =	vst.idx.msk $0xffff, v4  }
0xe5: {  	v3 =	vld [tilespmem:s30+$0xFFFFFFF0];
	_ =	sdelay $0x4  }
0xe6: {  	s2 =	sadd.s32 $0xFFFFFFF0, s28;
	v3 =	vsub.s32 v3, v2  }
0xe7: {  	s16 =	sand.u32 $0x60, s2;
	vm14 =	vgt.s32 v3, $0x0  }
0xe8: {  	s18 =	sand.u32 $0x3, s25;
	v60 =	vmov s2;
	s16 =	sor.u32 s16, s1;
	v3 =	vnsel vm14, $0x0, v3  }
0xe9: {  	s18 =	sshll.u32 s18, $0x5;
	v5 =	vshll.u32 v60, $0x3;
	v4 =	vld [tilespmem:s29+$0xFFFFFFF0];
	[tilespmem:s16+$0x0] =	vst v0;
	v3 =	vmin.u32 v3, $0x7  }
0xea: {  	s18 =	sadd.s32 s26, s18;
	v61 =	vor.u32 s2, v1;
	v5 =	vand.u32 $0xFFFFFC00, v5;
	[tilespmem:s16+$0x80] =	vst v0;
	v3 =	vshll.u32 v3, $0x7  }
0xeb: {  	s2 =	sadd.s32 $0x20, s18;
	v6 =	vand.u32 $0x6F, v61;
	[tilespmem:s16+$0x100] =	vst v0;
	v3 =	vor.u32 v5, v3  }
0xec: {  	s18 =	sor.u32 $0x200, s2;
	[tilespmem:s16+$0x180] =	vst v0;
	v3 =	vor.u32 v6, v3  }
0xed: {  	[tilespmem:s18+$0x2700] =	vst v0;
	s18 =	sor.u32 $0x280, s2  }
0xee: {  	[tilespmem:s18+$0x2700] =	vst v0;
	s18 =	sor.u32 $0x300, s2  }
0xef: {  	s2 =	sor.u32 $0x380, s2;
	[tilespmem:s18+$0x2700] =	vst v0  }
0xf0: {  	[tilespmem:s2+$0x2700] =	vst v0  }
0xf1: {  	[tilespmem:v3+s22+$0x0] =	vst.idx.msk $0xffff, v4  }
0xf2: {  	v3 =	vld [tilespmem:s30+$0x0];
	_ =	sdelay $0x4  }
0xf3: {  	v3 =	vsub.s32 v3, v2  }
0xf4: {  	s16 =	sand.u32 $0x70, s28;
	vm15 =	vgt.s32 v3, $0x0  }
0xf5: {  	v62 =	vmov s28;
	s1 =	sor.u32 s16, s1;
	v3 =	vnsel vm15, $0x0, v3  }
0xf6: {  	v5 =	vshll.u32 v62, $0x3;
	v4 =	vld [tilespmem:s29+$0x0];
	[tilespmem:s1+$0x0] =	vst v0;
	v3 =	vmin.u32 v3, $0x7  }
0xf7: {  	v63 =	vor.u32 s28, v1;
	v5 =	vand.u32 $0xFFFFFC00, v5;
	[tilespmem:s1+$0x80] =	vst v0;
	v3 =	vshll.u32 v3, $0x7  }
0xf8: {  	s0 =	sadd.s32 $0x30, s0;
	s26 =	sadd.s32 $0x200, s26;
	s16 =	rddreg [dreg:$0x5];
	v6 =	vand.u32 $0x7F, v63;
	[tilespmem:s1+$0x100] =	vst v0;
	v3 =	vor.u32 v5, v3  }
0xf9: {  	p4 =	sne.s32 s16, s26;
	s18 =	sor.u32 $0x200, s0;
	[tilespmem:s1+$0x180] =	vst v0;
	v3 =	vor.u32 v6, v3  }
.Ltmp2:
0xfa: {  	s2 =	sor.u32 $0x280, s0;
	[tilespmem:s18+$0x2700] =	vst v0;
	(pc) =	sbr.rel @p4 .LBB2_6-.Ltmp2, $4  }
0xfb: {  	s18 =	sor.u32 $0x300, s0;
	[tilespmem:s2+$0x2700] =	vst v0  }
0xfc: {  	s0 =	sor.u32 $0x380, s0;
	[tilespmem:s18+$0x2700] =	vst v0  }
0xfd: {  	p3 =	por !p3, !p3;
	s31 =	sadd.s32 $0x4, s31;
	s25 =	sadd.s32 $0x2, s25;
	[tilespmem:s0+$0x2700] =	vst v0  }
0xfe: {  	s28 =	sadd.s32 $0x40, s28;
	s30 =	sadd.s32 $0x40, s30;
	s29 =	sadd.s32 $0x40, s29;
	[tilespmem:v3+s22+$0x0] =	vst.idx.msk $0xffff, v4  }
0xff: {  	s0 =	simm.s32 @!p1 $0x0;
	s1 =	simm.s32 @!p1 $0x5700  }
0x100: {  	[hbm4b:s8+s0] =	stream.linear.scatter @!p1 [tilespmem:s1], [sflag:$0x4], $0x3400, $0x38;
	[tilespmem:$0x8C90] =	vst v63  }
0x101: {  	s0 =	simm.s32 @!p1 $0x4  }
0x102: {  	_ =	swait.ge @!p1 [sflag:s0], $0x3400  }
0x103: {  	[sflag:s0] =	ssyncset.done @!p1 $0x0  }
0x104: {  	s1 =	simm.s32 @!p2 $0x5700;
	[sflag:s0] =	ssyncadd.s32 @!p1 $0xFFFFCC00;
	s0 =	simm.s32 @!p2 $0x0  }
0x105: {  	[hbm4b:s9+s0] =	stream.linear.scatter @!p2 [tilespmem:s1], [sflag:$0x4], $0x2C00, $0x38;
	[tilespmem:$0x8C90] =	vst v63  }
0x106: {  	s1 =	simm.s32 @!p2 $0x4  }
0x107: {  	_ =	swait.ge @!p2 [sflag:s1], $0x2C00  }
0x108: {  	[sflag:s1] =	ssyncset.done @!p2 $0x0  }
0x109: {  	s2 =	simm.s32 @!p2 $0x8300;
	[sflag:s1] =	ssyncadd.s32 @!p2 $0xFFFFD400  }
0x10a: {  	[hbm4b:s10+s0] =	stream.linear.scatter @!p2 [tilespmem:s2], [sflag:$0x4], $0x20, $0x38;
	[tilespmem:$0x8C90] =	vst v63  }
0x10b: {  	s16 =	simm.s32 @!p2 $0x8380;
	s2 =	sadd.s32 @!p2 $0x10, s10  }
0x10c: {  	[hbm4b:s2+s0] =	stream.linear.scatter @!p2 [tilespmem:s16], [sflag:$0x4], $0x20, $0x38;
	[tilespmem:$0x8C90] =	vst v63  }
0x10d: {  	s2 =	sadd.s32 @!p2 $0x20, s10;
	s16 =	simm.s32 @!p2 $0x8400  }
0x10e: {  	[hbm4b:s2+s0] =	stream.linear.scatter @!p2 [tilespmem:s16], [sflag:$0x4], $0x20, $0x38;
	[tilespmem:$0x8C90] =	vst v63  }
0x10f: {  	s2 =	sadd.s32 @!p2 $0x30, s10;
	s16 =	simm.s32 @!p2 $0x8480  }
0x110: {  	[hbm4b:s2+s0] =	stream.linear.scatter @!p2 [tilespmem:s16], [sflag:$0x4], $0x20, $0x38;
	[tilespmem:$0x8C90] =	vst v63  }
0x111: {  	s2 =	sadd.s32 @!p2 $0x40, s10;
	s16 =	simm.s32 @!p2 $0x8500  }
0x112: {  	[hbm4b:s2+s0] =	stream.linear.scatter @!p2 [tilespmem:s16], [sflag:$0x4], $0x20, $0x38;
	[tilespmem:$0x8C90] =	vst v63  }
0x113: {  	s2 =	sadd.s32 @!p2 $0x50, s10;
	s16 =	simm.s32 @!p2 $0x8580  }
0x114: {  	[hbm4b:s2+s0] =	stream.linear.scatter @!p2 [tilespmem:s16], [sflag:$0x4], $0x20, $0x38;
	[tilespmem:$0x8C90] =	vst v63  }
0x115: {  	s2 =	sadd.s32 @!p2 $0x60, s10;
	s16 =	simm.s32 @!p2 $0x8600  }
0x116: {  	[hbm4b:s2+s0] =	stream.linear.scatter @!p2 [tilespmem:s16], [sflag:$0x4], $0x20, $0x38;
	[tilespmem:$0x8C90] =	vst v63  }
0x117: {  	s2 =	sadd.s32 @!p2 $0x70, s10;
	s16 =	simm.s32 @!p2 $0x8680  }
0x118: {  	[hbm4b:s2+s0] =	stream.linear.scatter @!p2 [tilespmem:s16], [sflag:$0x4], $0x20, $0x38;
	[tilespmem:$0x8C90] =	vst v63  }
0x119: {  	_ =	swait.ge @!p2 [sflag:s1], $0x100  }
0x11a: {  	[sflag:s1] =	ssyncset.done @!p2 $0x0  }
0x11b: {  	s0 =	simm.s32 @!p0 $0x0;
	[sflag:s1] =	ssyncadd.s32 @!p2 $0xFFFFFF00;
	s1 =	simm.s32 @!p0 $0x5700  }
0x11c: {  	[hbm4b:s8+s0] =	stream.linear.scatter @!p0 [tilespmem:s1], [sflag:$0x4], $0x3000, $0x38;
	[tilespmem:$0x8C90] =	vst v63  }
0x11d: {  	s24 =	sadd.s32 $0x1, s24;
	s0 =	simm.s32 @!p0 $0x4  }
0x11e: {  	p3 =	sne.s32 s24, s11;
	_ =	swait.ge @!p0 [sflag:s0], $0x3000  }
.Ltmp3:
0x11f: {  	[sflag:s0] =	ssyncset.done @!p0 $0x0;
	(pc) =	sbr.rel @p3 .LBB2_1-.Ltmp3, $4  }
0x120: {  	[sflag:s0] =	ssyncadd.s32 @!p0 $0xFFFFD000  }
0x121: {  	_ =	swait.ge [sflag:s23], $0x3000  }
0x122: {  	[sflag:s23] =	ssyncset.done $0x0  }
0x123: {  	[sflag:s23] =	ssyncadd.s32 $0xFFFFD000  }
0x124: {  	_ =	sfence.sel $0x180000  }
0x125: {  	[bflag:$0x0] =	sbarrier.arrive $0xFFFF  }
0x126: {  	_ =	strace $0x90000047  }
0x127: {  	s0 =	stileid.u32;
	[bflag:$0x2] =	sbarrier.arrive $0xFFFF  }
0x128: {  	p0 =	sne.s32 s0, $0x0;
	s0 =	rddreg [dreg:$0x4]  }
0x129: {  	s0 =	sadd.s32 @!p0 $0x100000, s0  }
0x12a: {  	[sflag:s0] =	ssyncadd.tile.s32 @!p0 $0x1;
	_ =	shalt  }
.Lfunc_end2:
_tile_overlayer_lowered:
.L_overlay_start_2:
0x12b: {  	(tag) =	ssettag $0x2  }
0x12c: {  	s0 =	rddreg [dreg:$0x0];
	s2 =	stileid.u32  }
0x12d: {  	s1 =	rddreg [dreg:$0x1];
	p0 =	sne.s32 s2, $0x0  }
0x12e: {  	s3 =	rddreg [dreg:$0x2];
	[bflag:$0x3] =	sbarrier.arrive $0xFFFF;
	s2 =	simm.s32 @!p0 $0x1C04  }
0x12f: {  	[timem:s3], [sflag:s2] =	dma.local @!p0 [hbm:s0], s1  }
0x130: {  	s0 =	simm.s32 @!p0 $0x4  }
0x131: {  	_ =	swait.ge @!p0 [sflag:s0], s1  }
0x132: {  	s1 =	ssub.s32 @!p0 $0x0, s1;
	[sflag:s0] =	ssyncset.done @!p0 $0x0  }
0x133: {  	[sflag:s0] =	ssyncadd.s32 @!p0 s1  }
0x134: {  	[bflag:$0x3] =	sbarrier.arrive $0xFFFF  }
0x135: {  	_ =	shalt  }

</sc_bundles>
